<compile_context>
chip_gen: v7x
topology: tpu7x:2x2x1
jax: 0.10.2.dev20260603
libtpu: 0.0.44.dev20260713+nightly
codegen_flags: <defaults>
</compile_context>

<pallas_src>
import functools

import jax
import jax.numpy as jnp
from jax import lax
from jax.experimental import pallas as pl
from jax.experimental.pallas import tpu as pltpu
from jax.experimental.pallas import tpu_sc as plsc

BATCH = 16384
EMBED = 32

_info = plsc.get_sparse_core_info()
_NC, _NS = _info.num_cores, _info.num_subcores
_NW = _NC * _NS
_BPW = BATCH // _NW
_NBLK = _BPW // 16


def _build():
    mesh = plsc.VectorSubcoreMesh(core_axis_name="c", subcore_axis_name="s")
    out_t = jax.ShapeDtypeStruct((BATCH, EMBED), jnp.float32)

    @functools.partial(
        pl.kernel,
        mesh=mesh,
        out_type=(out_t, out_t, out_t),
        compiler_params=pltpu.CompilerParams(
            needs_layout_passes=False),
        scratch_types=[
            pltpu.VMEM((_BPW,), jnp.int32),
            pltpu.VMEM((_BPW, EMBED), jnp.float32),
            pltpu.SemaphoreType.DMA,
        ],
    )
    def gather3(users_hbm, pos_hbm, neg_hbm, utab_hbm, itab_hbm,
                out_u, out_p, out_n,
                idx_v, buf, sem):
        wid = lax.axis_index("s") * _NC + lax.axis_index("c")
        base = wid * _BPW
        iota16 = lax.iota(jnp.int32, 16)
        zeros16 = jnp.zeros((16,), jnp.int32)

        for idx_hbm, tab_hbm, out_hbm in (
                (users_hbm, utab_hbm, out_u),
                (pos_hbm, itab_hbm, out_p),
                (neg_hbm, itab_hbm, out_n)):
            pltpu.sync_copy(idx_hbm.at[pl.ds(base, _BPW)], idx_v)

            def block(b, carry):
                chunk = idx_v[pl.ds(pl.multiple_of(b * 16, 16), 16)]
                for l in range(16):
                    r = lax.reduce_sum_p.bind(
                        jnp.where(iota16 == l, chunk, zeros16), axes=(0,))
                    pltpu.async_copy(
                        tab_hbm.at[pl.ds(r, 1), :],
                        buf.at[pl.ds(b * 16 + l, 1), :],
                        sem)
                return carry

            lax.fori_loop(0, _NBLK, block, 0)
            pltpu.make_async_copy(
                tab_hbm.at[pl.ds(0, _BPW), :], buf, sem).wait()
            pltpu.sync_copy(buf, out_hbm.at[pl.ds(base, _BPW), :])

    return gather3


_gather3 = _build()


def kernel(users, pos_items, neg_items, user_table, item_table):
    return _gather3(users, pos_items, neg_items, user_table, item_table)

# --- scband reference (transcript-rebuilt; emitter-appended) ---
"""Pipeline reference for scband-pure-mf-89979564851399 (READ-ONLY COPY).

The authoritative reference and input builder live on the scoring server;
editing this copy changes nothing except your own understanding.
"""

import jax, jax.numpy as jnp
import numpy as np

NUM_USERS = 1000000
NUM_ITEMS = 1000000
EMBED_DIM = 32
BATCH = 16384

def setup_inputs(seed: int = 0) -> dict:
    key = jax.random.key(seed)
    k1, k2, k3, k4, k5 = jax.random.split(key, 5)
    users = jax.random.randint(k1, (BATCH,), 0, NUM_USERS, dtype=jnp.int64 if jax.config.jax_enable_x64 else jnp.int32)
    pos_items = jax.random.randint(k2, (BATCH,), 0, NUM_ITEMS, dtype=jnp.int64 if jax.config.jax_enable_x64 else jnp.int32)
    neg_items = jax.random.randint(k3, (BATCH,), 0, NUM_ITEMS, dtype=jnp.int64 if jax.config.jax_enable_x64 else jnp.int32)
    # nn.init.uniform_ default: U[0, 1)
    user_table = jax.random.uniform(k4, (NUM_USERS, EMBED_DIM), dtype=jnp.float32)
    item_table = jax.random.uniform(k5, (NUM_ITEMS, EMBED_DIM), dtype=jnp.float32)
    return {"users": users, "pos_items": pos_items, "neg_items": neg_items,
            "user_table": user_table, "item_table": item_table}

def reference(users, pos_items, neg_items, user_table, item_table):
    users_emb = jnp.take(user_table, users, axis=0)
    pos_emb = jnp.take(item_table, pos_items, axis=0)
    neg_emb = jnp.take(item_table, neg_items, axis=0)
    return (users_emb, pos_emb, neg_emb)

if __name__ == "__main__":
    import jax
    _d = setup_inputs()
    print(jax.jit(kernel)(*tuple(_d.values())))

</pallas_src>

<mosaic_0001>
#map = affine_map<(d0, d1) -> (0)>
#map1 = affine_map<(d0, d1) -> (0, 0)>
module attributes {stable_mosaic.version = 14 : i64} {
  func.func @gather3(%arg0: i32, %arg1: i32, %arg2: memref<16384xi32, #tpu.memory_space<hbm>>, %arg3: memref<16384xi32, #tpu.memory_space<hbm>>, %arg4: memref<16384xi32, #tpu.memory_space<hbm>>, %arg5: memref<1000000x32xf32, #tpu.memory_space<hbm>>, %arg6: memref<1000000x32xf32, #tpu.memory_space<hbm>>, %arg7: memref<16384x32xf32, #tpu.memory_space<hbm>>, %arg8: memref<16384x32xf32, #tpu.memory_space<hbm>>, %arg9: memref<16384x32xf32, #tpu.memory_space<hbm>>, %arg10: memref<512xi32, #tpu.memory_space<vmem>>, %arg11: memref<512x32xf32, #tpu.memory_space<vmem>>, %arg12: memref<!tpu.dma_semaphore, #tpu.memory_space<semaphore_mem>>) attributes {dimension_semantics = [#tpu.dimension_semantics<core_parallel>, #tpu.dimension_semantics<subcore_parallel>], iteration_bounds = array<i64: 2, 16>, scalar_prefetch = 0 : i64, scratch_operands = 3 : i64, tpu.core_type = #tpu.core_type<sc_vector_subcore>, window_params = [{transform_indices = #map}, {transform_indices = #map}, {transform_indices = #map}, {transform_indices = #map1}, {transform_indices = #map1}, {transform_indices = #map1}, {transform_indices = #map1}, {transform_indices = #map1}]} {
    %mul3A = arith.constant 2 : i32
    %mul3A_0 = arith.muli %arg1, %mul3A : i32
    %add3A = arith.addi %mul3A_0, %arg0 : i32
    %mul3A_1 = arith.constant 512 : i32
    %mul3A_2 = arith.muli %add3A, %mul3A_1 : i32
    %iota3A = tpu.iota {dimensions = array<i32: 0>} : vector<16xi32>
    %broadcast_in_dim3A = arith.constant 0 : i32
    %broadcast_in_dim3A_3 = vector.broadcast %broadcast_in_dim3A : i32 to vector<16xi32>
    "tpu.region"() ({
      %run_scoped3A = tpu.sem_alloc : memref<!tpu.dma_semaphore, #tpu.memory_space<semaphore_mem>>
      %dma_start3A = tpu.memref_slice %arg2[%mul3A_2] : memref<16384xi32, #tpu.memory_space<hbm>> -> memref<512xi32, #tpu.memory_space<hbm>>
      %dma_start3A_38 = tpu.memref_slice %arg2[%mul3A_2] : memref<16384xi32, #tpu.memory_space<hbm>> -> memref<512xi32, #tpu.memory_space<hbm>>
      tpu.enqueue_dma source(%dma_start3A_38 : memref<512xi32, #tpu.memory_space<hbm>>) target(%arg10 : memref<512xi32, #tpu.memory_space<vmem>>) target_semaphore(%run_scoped3A : memref<!tpu.dma_semaphore, #tpu.memory_space<semaphore_mem>>)
      %dma_wait3A_39 = tpu.memref_slice %arg2[%mul3A_2] : memref<16384xi32, #tpu.memory_space<hbm>> -> memref<512xi32, #tpu.memory_space<hbm>>
      %dma_wait3A_40 = tpu.memref_slice %arg2[%mul3A_2] : memref<16384xi32, #tpu.memory_space<hbm>> -> memref<512xi32, #tpu.memory_space<hbm>>
      tpu.wait_dma2 semaphore(%run_scoped3A : memref<!tpu.dma_semaphore, #tpu.memory_space<semaphore_mem>>) src(%dma_wait3A_40 : memref<512xi32, #tpu.memory_space<hbm>>) dst(%arg10 : memref<512xi32, #tpu.memory_space<vmem>>)
      tpu.yield
    }) : () -> ()
    %scan3A = arith.constant 0 : i32
    %scan3A_4 = arith.constant 0 : i32
    %scan3A_5 = arith.constant 32 : i32
    %scan3A_6 = arith.addi %scan3A_4, %scan3A_5 : i32
    %scan3A_7 = arith.constant 1 : i32
    scf.for %scan3A_38 = %scan3A_4 to %scan3A_6 step %scan3A_7  : i32 {
      %mul3A_39 = arith.constant 16 : i32
      %mul3A_40 = arith.muli %scan3A_38, %mul3A_39 : i32
      %multiple_of3A = tpu.assume_multiple %mul3A_40, 16 : i32
      %get3A = arith.index_cast %multiple_of3A : i32 to index
      %get3A_41 = tpu.vector_load %arg10[%get3A] {strides = array<i32>} : memref<512xi32, #tpu.memory_space<vmem>>, vector<16xi32>,
      %eq3A = arith.constant 0 : i32
      %eq3A_42 = vector.broadcast %eq3A : i32 to vector<16xi32>
      %eq3A_43 = arith.cmpi eq, %iota3A, %eq3A_42 : vector<16xi32>
      %select_n3A = arith.select %eq3A_43, %get3A_41, %broadcast_in_dim3A_3 : vector<16xi1>, vector<16xi32>
      %reduce_sum3A = arith.constant true
      %reduce_sum3A_44 = vector.broadcast %reduce_sum3A : i1 to vector<16xi1>
      %reduce_sum3A_45 = tpu.scan <sum>, %select_n3A masked %reduce_sum3A_44 : vector<16xi32>, vector<16xi1> -> vector<16xi32>
      %reduce_sum3A_46 = vector.extract %reduce_sum3A_45[15] : i32 from vector<16xi32>
      %mul3A_47 = arith.constant 16 : i32
      %mul3A_48 = arith.muli %scan3A_38, %mul3A_47 : i32
      %add3A_49 = arith.constant 0 : i32
      %add3A_50 = arith.addi %mul3A_48, %add3A_49 : i32
      %dma_start3A = arith.constant 0 : i32
      %dma_start3A_51 = tpu.memref_slice %arg11[%add3A_50, %dma_start3A] : memref<512x32xf32, #tpu.memory_space<vmem>> -> memref<1x32xf32, #tpu.memory_space<vmem>>
      %dma_start3A_52 = arith.constant 0 : i32
      %dma_start3A_53 = tpu.memref_slice %arg5[%reduce_sum3A_46, %dma_start3A_52] : memref<1000000x32xf32, #tpu.memory_space<hbm>> -> memref<1x32xf32, #tpu.memory_space<hbm>>
      %dma_start3A_54 = arith.constant 0 : i32
      %dma_start3A_55 = tpu.memref_slice %arg11[%add3A_50, %dma_start3A_54] : memref<512x32xf32, #tpu.memory_space<vmem>> -> memref<1x32xf32, #tpu.memory_space<vmem>>
      %dma_start3A_56 = arith.constant 0 : i32
      %dma_start3A_57 = tpu.memref_slice %arg5[%reduce_sum3A_46, %dma_start3A_56] : memref<1000000x32xf32, #tpu.memory_space<hbm>> -> memref<1x32xf32, #tpu.memory_space<hbm>>
      tpu.enqueue_dma source(%dma_start3A_57 : memref<1x32xf32, #tpu.memory_space<hbm>>) target(%dma_start3A_55 : memref<1x32xf32, #tpu.memory_space<vmem>>) target_semaphore(%arg12 : memref<!tpu.dma_semaphore, #tpu.memory_space<semaphore_mem>>)
      %eq3A_58 = arith.constant 1 : i32
      %eq3A_59 = vector.broadcast %eq3A_58 : i32 to vector<16xi32>
      %eq3A_60 = arith.cmpi eq, %iota3A, %eq3A_59 : vector<16xi32>
      %select_n3A_61 = arith.select %eq3A_60, %get3A_41, %broadcast_in_dim3A_3 : vector<16xi1>, vector<16xi32>
      %reduce_sum3A_62 = arith.constant true
      %reduce_sum3A_63 = vector.broadcast %reduce_sum3A_62 : i1 to vector<16xi1>
      %reduce_sum3A_64 = tpu.scan <sum>, %select_n3A_61 masked %reduce_sum3A_63 : vector<16xi32>, vector<16xi1> -> vector<16xi32>
      %reduce_sum3A_65 = vector.extract %reduce_sum3A_64[15] : i32 from vector<16xi32>
      %mul3A_66 = arith.constant 16 : i32
      %mul3A_67 = arith.muli %scan3A_38, %mul3A_66 : i32
      %add3A_68 = arith.constant 1 : i32
      %add3A_69 = arith.addi %mul3A_67, %add3A_68 : i32
      %dma_start3A_70 = arith.constant 0 : i32
      %dma_start3A_71 = tpu.memref_slice %arg11[%add3A_69, %dma_start3A_70] : memref<512x32xf32, #tpu.memory_space<vmem>> -> memref<1x32xf32, #tpu.memory_space<vmem>>
      %dma_start3A_72 = arith.constant 0 : i32
      %dma_start3A_73 = tpu.memref_slice %arg5[%reduce_sum3A_65, %dma_start3A_72] : memref<1000000x32xf32, #tpu.memory_space<hbm>> -> memref<1x32xf32, #tpu.memory_space<hbm>>
      %dma_start3A_74 = arith.constant 0 : i32
      %dma_start3A_75 = tpu.memref_slice %arg11[%add3A_69, %dma_start3A_74] : memref<512x32xf32, #tpu.memory_space<vmem>> -> memref<1x32xf32, #tpu.memory_space<vmem>>
      %dma_start3A_76 = arith.constant 0 : i32
      %dma_start3A_77 = tpu.memref_slice %arg5[%reduce_sum3A_65, %dma_start3A_76] : memref<1000000x32xf32, #tpu.memory_space<hbm>> -> memref<1x32xf32, #tpu.memory_space<hbm>>
      tpu.enqueue_dma source(%dma_start3A_77 : memref<1x32xf32, #tpu.memory_space<hbm>>) target(%dma_start3A_75 : memref<1x32xf32, #tpu.memory_space<vmem>>) target_semaphore(%arg12 : memref<!tpu.dma_semaphore, #tpu.memory_space<semaphore_mem>>)
      %eq3A_78 = arith.constant 2 : i32
      %eq3A_79 = vector.broadcast %eq3A_78 : i32 to vector<16xi32>
      %eq3A_80 = arith.cmpi eq, %iota3A, %eq3A_79 : vector<16xi32>
      %select_n3A_81 = arith.select %eq3A_80, %get3A_41, %broadcast_in_dim3A_3 : vector<16xi1>, vector<16xi32>
      %reduce_sum3A_82 = arith.constant true
      %reduce_sum3A_83 = vector.broadcast %reduce_sum3A_82 : i1 to vector<16xi1>
      %reduce_sum3A_84 = tpu.scan <sum>, %select_n3A_81 masked %reduce_sum3A_83 : vector<16xi32>, vector<16xi1> -> vector<16xi32>
      %reduce_sum3A_85 = vector.extract %reduce_sum3A_84[15] : i32 from vector<16xi32>
      %mul3A_86 = arith.constant 16 : i32
      %mul3A_87 = arith.muli %scan3A_38, %mul3A_86 : i32
      %add3A_88 = arith.constant 2 : i32
      %add3A_89 = arith.addi %mul3A_87, %add3A_88 : i32
      %dma_start3A_90 = arith.constant 0 : i32
      %dma_start3A_91 = tpu.memref_slice %arg11[%add3A_89, %dma_start3A_90] : memref<512x32xf32, #tpu.memory_space<vmem>> -> memref<1x32xf32, #tpu.memory_space<vmem>>
      %dma_start3A_92 = arith.constant 0 : i32
      %dma_start3A_93 = tpu.memref_slice %arg5[%reduce_sum3A_85, %dma_start3A_92] : memref<1000000x32xf32, #tpu.memory_space<hbm>> -> memref<1x32xf32, #tpu.memory_space<hbm>>
      %dma_start3A_94 = arith.constant 0 : i32
      %dma_start3A_95 = tpu.memref_slice %arg11[%add3A_89, %dma_start3A_94] : memref<512x32xf32, #tpu.memory_space<vmem>> -> memref<1x32xf32, #tpu.memory_space<vmem>>
      %dma_start3A_96 = arith.constant 0 : i32
      %dma_start3A_97 = tpu.memref_slice %arg5[%reduce_sum3A_85, %dma_start3A_96] : memref<1000000x32xf32, #tpu.memory_space<hbm>> -> memref<1x32xf32, #tpu.memory_space<hbm>>
      tpu.enqueue_dma source(%dma_start3A_97 : memref<1x32xf32, #tpu.memory_space<hbm>>) target(%dma_start3A_95 : memref<1x32xf32, #tpu.memory_space<vmem>>) target_semaphore(%arg12 : memref<!tpu.dma_semaphore, #tpu.memory_space<semaphore_mem>>)
      %eq3A_98 = arith.constant 3 : i32
      %eq3A_99 = vector.broadcast %eq3A_98 : i32 to vector<16xi32>
      %eq3A_100 = arith.cmpi eq, %iota3A, %eq3A_99 : vector<16xi32>
      %select_n3A_101 = arith.select %eq3A_100, %get3A_41, %broadcast_in_dim3A_3 : vector<16xi1>, vector<16xi32>
      %reduce_sum3A_102 = arith.constant true
      %reduce_sum3A_103 = vector.broadcast %reduce_sum3A_102 : i1 to vector<16xi1>
      %reduce_sum3A_104 = tpu.scan <sum>, %select_n3A_101 masked %reduce_sum3A_103 : vector<16xi32>, vector<16xi1> -> vector<16xi32>
      %reduce_sum3A_105 = vector.extract %reduce_sum3A_104[15] : i32 from vector<16xi32>
      %mul3A_106 = arith.constant 16 : i32
      %mul3A_107 = arith.muli %scan3A_38, %mul3A_106 : i32
      %add3A_108 = arith.constant 3 : i32
      %add3A_109 = arith.addi %mul3A_107, %add3A_108 : i32
      %dma_start3A_110 = arith.constant 0 : i32
      %dma_start3A_111 = tpu.memref_slice %arg11[%add3A_109, %dma_start3A_110] : memref<512x32xf32, #tpu.memory_space<vmem>> -> memref<1x32xf32, #tpu.memory_space<vmem>>
      %dma_start3A_112 = arith.constant 0 : i32
      %dma_start3A_113 = tpu.memref_slice %arg5[%reduce_sum3A_105, %dma_start3A_112] : memref<1000000x32xf32, #tpu.memory_space<hbm>> -> memref<1x32xf32, #tpu.memory_space<hbm>>
      %dma_start3A_114 = arith.constant 0 : i32
      %dma_start3A_115 = tpu.memref_slice %arg11[%add3A_109, %dma_start3A_114] : memref<512x32xf32, #tpu.memory_space<vmem>> -> memref<1x32xf32, #tpu.memory_space<vmem>>
      %dma_start3A_116 = arith.constant 0 : i32
      %dma_start3A_117 = tpu.memref_slice %arg5[%reduce_sum3A_105, %dma_start3A_116] : memref<1000000x32xf32, #tpu.memory_space<hbm>> -> memref<1x32xf32, #tpu.memory_space<hbm>>
      tpu.enqueue_dma source(%dma_start3A_117 : memref<1x32xf32, #tpu.memory_space<hbm>>) target(%dma_start3A_115 : memref<1x32xf32, #tpu.memory_space<vmem>>) target_semaphore(%arg12 : memref<!tpu.dma_semaphore, #tpu.memory_space<semaphore_mem>>)
      %eq3A_118 = arith.constant 4 : i32
      %eq3A_119 = vector.broadcast %eq3A_118 : i32 to vector<16xi32>
      %eq3A_120 = arith.cmpi eq, %iota3A, %eq3A_119 : vector<16xi32>
      %select_n3A_121 = arith.select %eq3A_120, %get3A_41, %broadcast_in_dim3A_3 : vector<16xi1>, vector<16xi32>
      %reduce_sum3A_122 = arith.constant true
      %reduce_sum3A_123 = vector.broadcast %reduce_sum3A_122 : i1 to vector<16xi1>
      %reduce_sum3A_124 = tpu.scan <sum>, %select_n3A_121 masked %reduce_sum3A_123 : vector<16xi32>, vector<16xi1> -> vector<16xi32>
      %reduce_sum3A_125 = vector.extract %reduce_sum3A_124[15] : i32 from vector<16xi32>
      %mul3A_126 = arith.constant 16 : i32
      %mul3A_127 = arith.muli %scan3A_38, %mul3A_126 : i32
      %add3A_128 = arith.constant 4 : i32
      %add3A_129 = arith.addi %mul3A_127, %add3A_128 : i32
      %dma_start3A_130 = arith.constant 0 : i32
      %dma_start3A_131 = tpu.memref_slice %arg11[%add3A_129, %dma_start3A_130] : memref<512x32xf32, #tpu.memory_space<vmem>> -> memref<1x32xf32, #tpu.memory_space<vmem>>
      %dma_start3A_132 = arith.constant 0 : i32
      %dma_start3A_133 = tpu.memref_slice %arg5[%reduce_sum3A_125, %dma_start3A_132] : memref<1000000x32xf32, #tpu.memory_space<hbm>> -> memref<1x32xf32, #tpu.memory_space<hbm>>
      %dma_start3A_134 = arith.constant 0 : i32
      %dma_start3A_135 = tpu.memref_slice %arg11[%add3A_129, %dma_start3A_134] : memref<512x32xf32, #tpu.memory_space<vmem>> -> memref<1x32xf32, #tpu.memory_space<vmem>>
      %dma_start3A_136 = arith.constant 0 : i32
      %dma_start3A_137 = tpu.memref_slice %arg5[%reduce_sum3A_125, %dma_start3A_136] : memref<1000000x32xf32, #tpu.memory_space<hbm>> -> memref<1x32xf32, #tpu.memory_space<hbm>>
      tpu.enqueue_dma source(%dma_start3A_137 : memref<1x32xf32, #tpu.memory_space<hbm>>) target(%dma_start3A_135 : memref<1x32xf32, #tpu.memory_space<vmem>>) target_semaphore(%arg12 : memref<!tpu.dma_semaphore, #tpu.memory_space<semaphore_mem>>)
      %eq3A_138 = arith.constant 5 : i32
      %eq3A_139 = vector.broadcast %eq3A_138 : i32 to vector<16xi32>
      %eq3A_140 = arith.cmpi eq, %iota3A, %eq3A_139 : vector<16xi32>
      %select_n3A_141 = arith.select %eq3A_140, %get3A_41, %broadcast_in_dim3A_3 : vector<16xi1>, vector<16xi32>
      %reduce_sum3A_142 = arith.constant true
      %reduce_sum3A_143 = vector.broadcast %reduce_sum3A_142 : i1 to vector<16xi1>
      %reduce_sum3A_144 = tpu.scan <sum>, %select_n3A_141 masked %reduce_sum3A_143 : vector<16xi32>, vector<16xi1> -> vector<16xi32>
      %reduce_sum3A_145 = vector.extract %reduce_sum3A_144[15] : i32 from vector<16xi32>
      %mul3A_146 = arith.constant 16 : i32
      %mul3A_147 = arith.muli %scan3A_38, %mul3A_146 : i32
      %add3A_148 = arith.constant 5 : i32
      %add3A_149 = arith.addi %mul3A_147, %add3A_148 : i32
      %dma_start3A_150 = arith.constant 0 : i32
      %dma_start3A_151 = tpu.memref_slice %arg11[%add3A_149, %dma_start3A_150] : memref<512x32xf32, #tpu.memory_space<vmem>> -> memref<1x32xf32, #tpu.memory_space<vmem>>
      %dma_start3A_152 = arith.constant 0 : i32
      %dma_start3A_153 = tpu.memref_slice %arg5[%reduce_sum3A_145, %dma_start3A_152] : memref<1000000x32xf32, #tpu.memory_space<hbm>> -> memref<1x32xf32, #tpu.memory_space<hbm>>
      %dma_start3A_154 = arith.constant 0 : i32
      %dma_start3A_155 = tpu.memref_slice %arg11[%add3A_149, %dma_start3A_154] : memref<512x32xf32, #tpu.memory_space<vmem>> -> memref<1x32xf32, #tpu.memory_space<vmem>>
      %dma_start3A_156 = arith.constant 0 : i32
      %dma_start3A_157 = tpu.memref_slice %arg5[%reduce_sum3A_145, %dma_start3A_156] : memref<1000000x32xf32, #tpu.memory_space<hbm>> -> memref<1x32xf32, #tpu.memory_space<hbm>>
      tpu.enqueue_dma source(%dma_start3A_157 : memref<1x32xf32, #tpu.memory_space<hbm>>) target(%dma_start3A_155 : memref<1x32xf32, #tpu.memory_space<vmem>>) target_semaphore(%arg12 : memref<!tpu.dma_semaphore, #tpu.memory_space<semaphore_mem>>)
      %eq3A_158 = arith.constant 6 : i32
      %eq3A_159 = vector.broadcast %eq3A_158 : i32 to vector<16xi32>
      %eq3A_160 = arith.cmpi eq, %iota3A, %eq3A_159 : vector<16xi32>
      %select_n3A_161 = arith.select %eq3A_160, %get3A_41, %broadcast_in_dim3A_3 : vector<16xi1>, vector<16xi32>
      %reduce_sum3A_162 = arith.constant true
      %reduce_sum3A_163 = vector.broadcast %reduce_sum3A_162 : i1 to vector<16xi1>
      %reduce_sum3A_164 = tpu.scan <sum>, %select_n3A_161 masked %reduce_sum3A_163 : vector<16xi32>, vector<16xi1> -> vector<16xi32>
      %reduce_sum3A_165 = vector.extract %reduce_sum3A_164[15] : i32 from vector<16xi32>
      %mul3A_166 = arith.constant 16 : i32
      %mul3A_167 = arith.muli %scan3A_38, %mul3A_166 : i32
      %add3A_168 = arith.constant 6 : i32
      %add3A_169 = arith.addi %mul3A_167, %add3A_168 : i32
      %dma_start3A_170 = arith.constant 0 : i32
      %dma_start3A_171 = tpu.memref_slice %arg11[%add3A_169, %dma_start3A_170] : memref<512x32xf32, #tpu.memory_space<vmem>> -> memref<1x32xf32, #tpu.memory_space<vmem>>
      %dma_start3A_172 = arith.constant 0 : i32
      %dma_start3A_173 = tpu.memref_slice %arg5[%reduce_sum3A_165, %dma_start3A_172] : memref<1000000x32xf32, #tpu.memory_space<hbm>> -> memref<1x32xf32, #tpu.memory_space<hbm>>
      %dma_start3A_174 = arith.constant 0 : i32
      %dma_start3A_175 = tpu.memref_slice %arg11[%add3A_169, %dma_start3A_174] : memref<512x32xf32, #tpu.memory_space<vmem>> -> memref<1x32xf32, #tpu.memory_space<vmem>>
      %dma_start3A_176 = arith.constant 0 : i32
      %dma_start3A_177 = tpu.memref_slice %arg5[%reduce_sum3A_165, %dma_start3A_176] : memref<1000000x32xf32, #tpu.memory_space<hbm>> -> memref<1x32xf32, #tpu.memory_space<hbm>>
      tpu.enqueue_dma source(%dma_start3A_177 : memref<1x32xf32, #tpu.memory_space<hbm>>) target(%dma_start3A_175 : memref<1x32xf32, #tpu.memory_space<vmem>>) target_semaphore(%arg12 : memref<!tpu.dma_semaphore, #tpu.memory_space<semaphore_mem>>)
      %eq3A_178 = arith.constant 7 : i32
      %eq3A_179 = vector.broadcast %eq3A_178 : i32 to vector<16xi32>
      %eq3A_180 = arith.cmpi eq, %iota3A, %eq3A_179 : vector<16xi32>
      %select_n3A_181 = arith.select %eq3A_180, %get3A_41, %broadcast_in_dim3A_3 : vector<16xi1>, vector<16xi32>
      %reduce_sum3A_182 = arith.constant true
      %reduce_sum3A_183 = vector.broadcast %reduce_sum3A_182 : i1 to vector<16xi1>
      %reduce_sum3A_184 = tpu.scan <sum>, %select_n3A_181 masked %reduce_sum3A_183 : vector<16xi32>, vector<16xi1> -> vector<16xi32>
      %reduce_sum3A_185 = vector.extract %reduce_sum3A_184[15] : i32 from vector<16xi32>
      %mul3A_186 = arith.constant 16 : i32
      %mul3A_187 = arith.muli %scan3A_38, %mul3A_186 : i32
      %add3A_188 = arith.constant 7 : i32
      %add3A_189 = arith.addi %mul3A_187, %add3A_188 : i32
      %dma_start3A_190 = arith.constant 0 : i32
      %dma_start3A_191 = tpu.memref_slice %arg11[%add3A_189, %dma_start3A_190] : memref<512x32xf32, #tpu.memory_space<vmem>> -> memref<1x32xf32, #tpu.memory_space<vmem>>
      %dma_start3A_192 = arith.constant 0 : i32
      %dma_start3A_193 = tpu.memref_slice %arg5[%reduce_sum3A_185, %dma_start3A_192] : memref<1000000x32xf32, #tpu.memory_space<hbm>> -> memref<1x32xf32, #tpu.memory_space<hbm>>
      %dma_start3A_194 = arith.constant 0 : i32
      %dma_start3A_195 = tpu.memref_slice %arg11[%add3A_189, %dma_start3A_194] : memref<512x32xf32, #tpu.memory_space<vmem>> -> memref<1x32xf32, #tpu.memory_space<vmem>>
      %dma_start3A_196 = arith.constant 0 : i32
      %dma_start3A_197 = tpu.memref_slice %arg5[%reduce_sum3A_185, %dma_start3A_196] : memref<1000000x32xf32, #tpu.memory_space<hbm>> -> memref<1x32xf32, #tpu.memory_space<hbm>>
      tpu.enqueue_dma source(%dma_start3A_197 : memref<1x32xf32, #tpu.memory_space<hbm>>) target(%dma_start3A_195 : memref<1x32xf32, #tpu.memory_space<vmem>>) target_semaphore(%arg12 : memref<!tpu.dma_semaphore, #tpu.memory_space<semaphore_mem>>)
      %eq3A_198 = arith.constant 8 : i32
      %eq3A_199 = vector.broadcast %eq3A_198 : i32 to vector<16xi32>
      %eq3A_200 = arith.cmpi eq, %iota3A, %eq3A_199 : vector<16xi32>
      %select_n3A_201 = arith.select %eq3A_200, %get3A_41, %broadcast_in_dim3A_3 : vector<16xi1>, vector<16xi32>
      %reduce_sum3A_202 = arith.constant true
      %reduce_sum3A_203 = vector.broadcast %reduce_sum3A_202 : i1 to vector<16xi1>
      %reduce_sum3A_204 = tpu.scan <sum>, %select_n3A_201 masked %reduce_sum3A_203 : vector<16xi32>, vector<16xi1> -> vector<16xi32>
      %reduce_sum3A_205 = vector.extract %reduce_sum3A_204[15] : i32 from vector<16xi32>
      %mul3A_206 = arith.constant 16 : i32
      %mul3A_207 = arith.muli %scan3A_38, %mul3A_206 : i32
      %add3A_208 = arith.constant 8 : i32
      %add3A_209 = arith.addi %mul3A_207, %add3A_208 : i32
      %dma_start3A_210 = arith.constant 0 : i32
      %dma_start3A_211 = tpu.memref_slice %arg11[%add3A_209, %dma_start3A_210] : memref<512x32xf32, #tpu.memory_space<vmem>> -> memref<1x32xf32, #tpu.memory_space<vmem>>
      %dma_start3A_212 = arith.constant 0 : i32
      %dma_start3A_213 = tpu.memref_slice %arg5[%reduce_sum3A_205, %dma_start3A_212] : memref<1000000x32xf32, #tpu.memory_space<hbm>> -> memref<1x32xf32, #tpu.memory_space<hbm>>
      %dma_start3A_214 = arith.constant 0 : i32
      %dma_start3A_215 = tpu.memref_slice %arg11[%add3A_209, %dma_start3A_214] : memref<512x32xf32, #tpu.memory_space<vmem>> -> memref<1x32xf32, #tpu.memory_space<vmem>>
      %dma_start3A_216 = arith.constant 0 : i32
      %dma_start3A_217 = tpu.memref_slice %arg5[%reduce_sum3A_205, %dma_start3A_216] : memref<1000000x32xf32, #tpu.memory_space<hbm>> -> memref<1x32xf32, #tpu.memory_space<hbm>>
      tpu.enqueue_dma source(%dma_start3A_217 : memref<1x32xf32, #tpu.memory_space<hbm>>) target(%dma_start3A_215 : memref<1x32xf32, #tpu.memory_space<vmem>>) target_semaphore(%arg12 : memref<!tpu.dma_semaphore, #tpu.memory_space<semaphore_mem>>)
      %eq3A_218 = arith.constant 9 : i32
      %eq3A_219 = vector.broadcast %eq3A_218 : i32 to vector<16xi32>
      %eq3A_220 = arith.cmpi eq, %iota3A, %eq3A_219 : vector<16xi32>
      %select_n3A_221 = arith.select %eq3A_220, %get3A_41, %broadcast_in_dim3A_3 : vector<16xi1>, vector<16xi32>
      %reduce_sum3A_222 = arith.constant true
      %reduce_sum3A_223 = vector.broadcast %reduce_sum3A_222 : i1 to vector<16xi1>
      %reduce_sum3A_224 = tpu.scan <sum>, %select_n3A_221 masked %reduce_sum3A_223 : vector<16xi32>, vector<16xi1> -> vector<16xi32>
      %reduce_sum3A_225 = vector.extract %reduce_sum3A_224[15] : i32 from vector<16xi32>
      %mul3A_226 = arith.constant 16 : i32
      %mul3A_227 = arith.muli %scan3A_38, %mul3A_226 : i32
      %add3A_228 = arith.constant 9 : i32
      %add3A_229 = arith.addi %mul3A_227, %add3A_228 : i32
      %dma_start3A_230 = arith.constant 0 : i32
      %dma_start3A_231 = tpu.memref_slice %arg11[%add3A_229, %dma_start3A_230] : memref<512x32xf32, #tpu.memory_space<vmem>> -> memref<1x32xf32, #tpu.memory_space<vmem>>
      %dma_start3A_232 = arith.constant 0 : i32
      %dma_start3A_233 = tpu.memref_slice %arg5[%reduce_sum3A_225, %dma_start3A_232] : memref<1000000x32xf32, #tpu.memory_space<hbm>> -> memref<1x32xf32, #tpu.memory_space<hbm>>
      %dma_start3A_234 = arith.constant 0 : i32
      %dma_start3A_235 = tpu.memref_slice %arg11[%add3A_229, %dma_start3A_234] : memref<512x32xf32, #tpu.memory_space<vmem>> -> memref<1x32xf32, #tpu.memory_space<vmem>>
      %dma_start3A_236 = arith.constant 0 : i32
      %dma_start3A_237 = tpu.memref_slice %arg5[%reduce_sum3A_225, %dma_start3A_236] : memref<1000000x32xf32, #tpu.memory_space<hbm>> -> memref<1x32xf32, #tpu.memory_space<hbm>>
      tpu.enqueue_dma source(%dma_start3A_237 : memref<1x32xf32, #tpu.memory_space<hbm>>) target(%dma_start3A_235 : memref<1x32xf32, #tpu.memory_space<vmem>>) target_semaphore(%arg12 : memref<!tpu.dma_semaphore, #tpu.memory_space<semaphore_mem>>)
      %eq3A_238 = arith.constant 10 : i32
      %eq3A_239 = vector.broadcast %eq3A_238 : i32 to vector<16xi32>
      %eq3A_240 = arith.cmpi eq, %iota3A, %eq3A_239 : vector<16xi32>
      %select_n3A_241 = arith.select %eq3A_240, %get3A_41, %broadcast_in_dim3A_3 : vector<16xi1>, vector<16xi32>
      %reduce_sum3A_242 = arith.constant true
      %reduce_sum3A_243 = vector.broadcast %reduce_sum3A_242 : i1 to vector<16xi1>
      %reduce_sum3A_244 = tpu.scan <sum>, %select_n3A_241 masked %reduce_sum3A_243 : vector<16xi32>, vector<16xi1> -> vector<16xi32>
      %reduce_sum3A_245 = vector.extract %reduce_sum3A_244[15] : i32 from vector<16xi32>
      %mul3A_246 = arith.constant 16 : i32
      %mul3A_247 = arith.muli %scan3A_38, %mul3A_246 : i32
      %add3A_248 = arith.constant 10 : i32
      %add3A_249 = arith.addi %mul3A_247, %add3A_248 : i32
      %dma_start3A_250 = arith.constant 0 : i32
      %dma_start3A_251 = tpu.memref_slice %arg11[%add3A_249, %dma_start3A_250] : memref<512x32xf32, #tpu.memory_space<vmem>> -> memref<1x32xf32, #tpu.memory_space<vmem>>
      %dma_start3A_252 = arith.constant 0 : i32
      %dma_start3A_253 = tpu.memref_slice %arg5[%reduce_sum3A_245, %dma_start3A_252] : memref<1000000x32xf32, #tpu.memory_space<hbm>> -> memref<1x32xf32, #tpu.memory_space<hbm>>
      %dma_start3A_254 = arith.constant 0 : i32
      %dma_start3A_255 = tpu.memref_slice %arg11[%add3A_249, %dma_start3A_254] : memref<512x32xf32, #tpu.memory_space<vmem>> -> memref<1x32xf32, #tpu.memory_space<vmem>>
      %dma_start3A_256 = arith.constant 0 : i32
      %dma_start3A_257 = tpu.memref_slice %arg5[%reduce_sum3A_245, %dma_start3A_256] : memref<1000000x32xf32, #tpu.memory_space<hbm>> -> memref<1x32xf32, #tpu.memory_space<hbm>>
      tpu.enqueue_dma source(%dma_start3A_257 : memref<1x32xf32, #tpu.memory_space<hbm>>) target(%dma_start3A_255 : memref<1x32xf32, #tpu.memory_space<vmem>>) target_semaphore(%arg12 : memref<!tpu.dma_semaphore, #tpu.memory_space<semaphore_mem>>)
      %eq3A_258 = arith.constant 11 : i32
      %eq3A_259 = vector.broadcast %eq3A_258 : i32 to vector<16xi32>
      %eq3A_260 = arith.cmpi eq, %iota3A, %eq3A_259 : vector<16xi32>
      %select_n3A_261 = arith.select %eq3A_260, %get3A_41, %broadcast_in_dim3A_3 : vector<16xi1>, vector<16xi32>
      %reduce_sum3A_262 = arith.constant true
      %reduce_sum3A_263 = vector.broadcast %reduce_sum3A_262 : i1 to vector<16xi1>
      %reduce_sum3A_264 = tpu.scan <sum>, %select_n3A_261 masked %reduce_sum3A_263 : vector<16xi32>, vector<16xi1> -> vector<16xi32>
      %reduce_sum3A_265 = vector.extract %reduce_sum3A_264[15] : i32 from vector<16xi32>
      %mul3A_266 = arith.constant 16 : i32
      %mul3A_267 = arith.muli %scan3A_38, %mul3A_266 : i32
      %add3A_268 = arith.constant 11 : i32
      %add3A_269 = arith.addi %mul3A_267, %add3A_268 : i32
      %dma_start3A_270 = arith.constant 0 : i32
      %dma_start3A_271 = tpu.memref_slice %arg11[%add3A_269, %dma_start3A_270] : memref<512x32xf32, #tpu.memory_space<vmem>> -> memref<1x32xf32, #tpu.memory_space<vmem>>
      %dma_start3A_272 = arith.constant 0 : i32
      %dma_start3A_273 = tpu.memref_slice %arg5[%reduce_sum3A_265, %dma_start3A_272] : memref<1000000x32xf32, #tpu.memory_space<hbm>> -> memref<1x32xf32, #tpu.memory_space<hbm>>
      %dma_start3A_274 = arith.constant 0 : i32
      %dma_start3A_275 = tpu.memref_slice %arg11[%add3A_269, %dma_start3A_274] : memref<512x32xf32, #tpu.memory_space<vmem>> -> memref<1x32xf32, #tpu.memory_space<vmem>>
      %dma_start3A_276 = arith.constant 0 : i32
      %dma_start3A_277 = tpu.memref_slice %arg5[%reduce_sum3A_265, %dma_start3A_276] : memref<1000000x32xf32, #tpu.memory_space<hbm>> -> memref<1x32xf32, #tpu.memory_space<hbm>>
      tpu.enqueue_dma source(%dma_start3A_277 : memref<1x32xf32, #tpu.memory_space<hbm>>) target(%dma_start3A_275 : memref<1x32xf32, #tpu.memory_space<vmem>>) target_semaphore(%arg12 : memref<!tpu.dma_semaphore, #tpu.memory_space<semaphore_mem>>)
      %eq3A_278 = arith.constant 12 : i32
      %eq3A_279 = vector.broadcast %eq3A_278 : i32 to vector<16xi32>
      %eq3A_280 = arith.cmpi eq, %iota3A, %eq3A_279 : vector<16xi32>
      %select_n3A_281 = arith.select %eq3A_280, %get3A_41, %broadcast_in_dim3A_3 : vector<16xi1>, vector<16xi32>
      %reduce_sum3A_282 = arith.constant true
      %reduce_sum3A_283 = vector.broadcast %reduce_sum3A_282 : i1 to vector<16xi1>
      %reduce_sum3A_284 = tpu.scan <sum>, %select_n3A_281 masked %reduce_sum3A_283 : vector<16xi32>, vector<16xi1> -> vector<16xi32>
      %reduce_sum3A_285 = vector.extract %reduce_sum3A_284[15] : i32 from vector<16xi32>
      %mul3A_286 = arith.constant 16 : i32
      %mul3A_287 = arith.muli %scan3A_38, %mul3A_286 : i32
      %add3A_288 = arith.constant 12 : i32
      %add3A_289 = arith.addi %mul3A_287, %add3A_288 : i32
      %dma_start3A_290 = arith.constant 0 : i32
      %dma_start3A_291 = tpu.memref_slice %arg11[%add3A_289, %dma_start3A_290] : memref<512x32xf32, #tpu.memory_space<vmem>> -> memref<1x32xf32, #tpu.memory_space<vmem>>
      %dma_start3A_292 = arith.constant 0 : i32
      %dma_start3A_293 = tpu.memref_slice %arg5[%reduce_sum3A_285, %dma_start3A_292] : memref<1000000x32xf32, #tpu.memory_space<hbm>> -> memref<1x32xf32, #tpu.memory_space<hbm>>
      %dma_start3A_294 = arith.constant 0 : i32
      %dma_start3A_295 = tpu.memref_slice %arg11[%add3A_289, %dma_start3A_294] : memref<512x32xf32, #tpu.memory_space<vmem>> -> memref<1x32xf32, #tpu.memory_space<vmem>>
      %dma_start3A_296 = arith.constant 0 : i32
      %dma_start3A_297 = tpu.memref_slice %arg5[%reduce_sum3A_285, %dma_start3A_296] : memref<1000000x32xf32, #tpu.memory_space<hbm>> -> memref<1x32xf32, #tpu.memory_space<hbm>>
      tpu.enqueue_dma source(%dma_start3A_297 : memref<1x32xf32, #tpu.memory_space<hbm>>) target(%dma_start3A_295 : memref<1x32xf32, #tpu.memory_space<vmem>>) target_semaphore(%arg12 : memref<!tpu.dma_semaphore, #tpu.memory_space<semaphore_mem>>)
      %eq3A_298 = arith.constant 13 : i32
      %eq3A_299 = vector.broadcast %eq3A_298 : i32 to vector<16xi32>
      %eq3A_300 = arith.cmpi eq, %iota3A, %eq3A_299 : vector<16xi32>
      %select_n3A_301 = arith.select %eq3A_300, %get3A_41, %broadcast_in_dim3A_3 : vector<16xi1>, vector<16xi32>
      %reduce_sum3A_302 = arith.constant true
      %reduce_sum3A_303 = vector.broadcast %reduce_sum3A_302 : i1 to vector<16xi1>
      %reduce_sum3A_304 = tpu.scan <sum>, %select_n3A_301 masked %reduce_sum3A_303 : vector<16xi32>, vector<16xi1> -> vector<16xi32>
      %reduce_sum3A_305 = vector.extract %reduce_sum3A_304[15] : i32 from vector<16xi32>
      %mul3A_306 = arith.constant 16 : i32
      %mul3A_307 = arith.muli %scan3A_38, %mul3A_306 : i32
      %add3A_308 = arith.constant 13 : i32
      %add3A_309 = arith.addi %mul3A_307, %add3A_308 : i32
      %dma_start3A_310 = arith.constant 0 : i32
      %dma_start3A_311 = tpu.memref_slice %arg11[%add3A_309, %dma_start3A_310] : memref<512x32xf32, #tpu.memory_space<vmem>> -> memref<1x32xf32, #tpu.memory_space<vmem>>
      %dma_start3A_312 = arith.constant 0 : i32
      %dma_start3A_313 = tpu.memref_slice %arg5[%reduce_sum3A_305, %dma_start3A_312] : memref<1000000x32xf32, #tpu.memory_space<hbm>> -> memref<1x32xf32, #tpu.memory_space<hbm>>
      %dma_start3A_314 = arith.constant 0 : i32
      %dma_start3A_315 = tpu.memref_slice %arg11[%add3A_309, %dma_start3A_314] : memref<512x32xf32, #tpu.memory_space<vmem>> -> memref<1x32xf32, #tpu.memory_space<vmem>>
      %dma_start3A_316 = arith.constant 0 : i32
      %dma_start3A_317 = tpu.memref_slice %arg5[%reduce_sum3A_305, %dma_start3A_316] : memref<1000000x32xf32, #tpu.memory_space<hbm>> -> memref<1x32xf32, #tpu.memory_space<hbm>>
      tpu.enqueue_dma source(%dma_start3A_317 : memref<1x32xf32, #tpu.memory_space<hbm>>) target(%dma_start3A_315 : memref<1x32xf32, #tpu.memory_space<vmem>>) target_semaphore(%arg12 : memref<!tpu.dma_semaphore, #tpu.memory_space<semaphore_mem>>)
      %eq3A_318 = arith.constant 14 : i32
      %eq3A_319 = vector.broadcast %eq3A_318 : i32 to vector<16xi32>
      %eq3A_320 = arith.cmpi eq, %iota3A, %eq3A_319 : vector<16xi32>
      %select_n3A_321 = arith.select %eq3A_320, %get3A_41, %broadcast_in_dim3A_3 : vector<16xi1>, vector<16xi32>
      %reduce_sum3A_322 = arith.constant true
      %reduce_sum3A_323 = vector.broadcast %reduce_sum3A_322 : i1 to vector<16xi1>
      %reduce_sum3A_324 = tpu.scan <sum>, %select_n3A_321 masked %reduce_sum3A_323 : vector<16xi32>, vector<16xi1> -> vector<16xi32>
      %reduce_sum3A_325 = vector.extract %reduce_sum3A_324[15] : i32 from vector<16xi32>
      %mul3A_326 = arith.constant 16 : i32
      %mul3A_327 = arith.muli %scan3A_38, %mul3A_326 : i32
      %add3A_328 = arith.constant 14 : i32
      %add3A_329 = arith.addi %mul3A_327, %add3A_328 : i32
      %dma_start3A_330 = arith.constant 0 : i32
      %dma_start3A_331 = tpu.memref_slice %arg11[%add3A_329, %dma_start3A_330] : memref<512x32xf32, #tpu.memory_space<vmem>> -> memref<1x32xf32, #tpu.memory_space<vmem>>
      %dma_start3A_332 = arith.constant 0 : i32
      %dma_start3A_333 = tpu.memref_slice %arg5[%reduce_sum3A_325, %dma_start3A_332] : memref<1000000x32xf32, #tpu.memory_space<hbm>> -> memref<1x32xf32, #tpu.memory_space<hbm>>
      %dma_start3A_334 = arith.constant 0 : i32
      %dma_start3A_335 = tpu.memref_slice %arg11[%add3A_329, %dma_start3A_334] : memref<512x32xf32, #tpu.memory_space<vmem>> -> memref<1x32xf32, #tpu.memory_space<vmem>>
      %dma_start3A_336 = arith.constant 0 : i32
      %dma_start3A_337 = tpu.memref_slice %arg5[%reduce_sum3A_325, %dma_start3A_336] : memref<1000000x32xf32, #tpu.memory_space<hbm>> -> memref<1x32xf32, #tpu.memory_space<hbm>>
      tpu.enqueue_dma source(%dma_start3A_337 : memref<1x32xf32, #tpu.memory_space<hbm>>) target(%dma_start3A_335 : memref<1x32xf32, #tpu.memory_space<vmem>>) target_semaphore(%arg12 : memref<!tpu.dma_semaphore, #tpu.memory_space<semaphore_mem>>)
      %eq3A_338 = arith.constant 15 : i32
      %eq3A_339 = vector.broadcast %eq3A_338 : i32 to vector<16xi32>
      %eq3A_340 = arith.cmpi eq, %iota3A, %eq3A_339 : vector<16xi32>
      %select_n3A_341 = arith.select %eq3A_340, %get3A_41, %broadcast_in_dim3A_3 : vector<16xi1>, vector<16xi32>
      %reduce_sum3A_342 = arith.constant true
      %reduce_sum3A_343 = vector.broadcast %reduce_sum3A_342 : i1 to vector<16xi1>
      %reduce_sum3A_344 = tpu.scan <sum>, %select_n3A_341 masked %reduce_sum3A_343 : vector<16xi32>, vector<16xi1> -> vector<16xi32>
      %reduce_sum3A_345 = vector.extract %reduce_sum3A_344[15] : i32 from vector<16xi32>
      %mul3A_346 = arith.constant 16 : i32
      %mul3A_347 = arith.muli %scan3A_38, %mul3A_346 : i32
      %add3A_348 = arith.constant 15 : i32
      %add3A_349 = arith.addi %mul3A_347, %add3A_348 : i32
      %dma_start3A_350 = arith.constant 0 : i32
      %dma_start3A_351 = tpu.memref_slice %arg11[%add3A_349, %dma_start3A_350] : memref<512x32xf32, #tpu.memory_space<vmem>> -> memref<1x32xf32, #tpu.memory_space<vmem>>
      %dma_start3A_352 = arith.constant 0 : i32
      %dma_start3A_353 = tpu.memref_slice %arg5[%reduce_sum3A_345, %dma_start3A_352] : memref<1000000x32xf32, #tpu.memory_space<hbm>> -> memref<1x32xf32, #tpu.memory_space<hbm>>
      %dma_start3A_354 = arith.constant 0 : i32
      %dma_start3A_355 = tpu.memref_slice %arg11[%add3A_349, %dma_start3A_354] : memref<512x32xf32, #tpu.memory_space<vmem>> -> memref<1x32xf32, #tpu.memory_space<vmem>>
      %dma_start3A_356 = arith.constant 0 : i32
      %dma_start3A_357 = tpu.memref_slice %arg5[%reduce_sum3A_345, %dma_start3A_356] : memref<1000000x32xf32, #tpu.memory_space<hbm>> -> memref<1x32xf32, #tpu.memory_space<hbm>>
      tpu.enqueue_dma source(%dma_start3A_357 : memref<1x32xf32, #tpu.memory_space<hbm>>) target(%dma_start3A_355 : memref<1x32xf32, #tpu.memory_space<vmem>>) target_semaphore(%arg12 : memref<!tpu.dma_semaphore, #tpu.memory_space<semaphore_mem>>)
    }
    %scan3A_8 = arith.constant 32 : i32
    %dma_wait3A = arith.constant 0 : i32
    %dma_wait3A_9 = arith.constant 0 : i32
    %dma_wait3A_10 = tpu.memref_slice %arg5[%dma_wait3A, %dma_wait3A_9] : memref<1000000x32xf32, #tpu.memory_space<hbm>> -> memref<512x32xf32, #tpu.memory_space<hbm>>
    %dma_wait3A_11 = arith.constant 0 : i32
    %dma_wait3A_12 = arith.constant 0 : i32
    %dma_wait3A_13 = tpu.memref_slice %arg5[%dma_wait3A_11, %dma_wait3A_12] : memref<1000000x32xf32, #tpu.memory_space<hbm>> -> memref<512x32xf32, #tpu.memory_space<hbm>>
    tpu.wait_dma2 semaphore(%arg12 : memref<!tpu.dma_semaphore, #tpu.memory_space<semaphore_mem>>) src(%dma_wait3A_13 : memref<512x32xf32, #tpu.memory_space<hbm>>) dst(%arg11 : memref<512x32xf32, #tpu.memory_space<vmem>>)
    "tpu.region"() ({
      %run_scoped3A = tpu.sem_alloc : memref<!tpu.dma_semaphore, #tpu.memory_space<semaphore_mem>>
      %dma_start3A = arith.constant 0 : i32
      %dma_start3A_38 = tpu.memref_slice %arg7[%mul3A_2, %dma_start3A] : memref<16384x32xf32, #tpu.memory_space<hbm>> -> memref<512x32xf32, #tpu.memory_space<hbm>>
      %dma_start3A_39 = arith.constant 0 : i32
      %dma_start3A_40 = tpu.memref_slice %arg7[%mul3A_2, %dma_start3A_39] : memref<16384x32xf32, #tpu.memory_space<hbm>> -> memref<512x32xf32, #tpu.memory_space<hbm>>
      tpu.enqueue_dma source(%arg11 : memref<512x32xf32, #tpu.memory_space<vmem>>) target(%dma_start3A_40 : memref<512x32xf32, #tpu.memory_space<hbm>>) target_semaphore(%run_scoped3A : memref<!tpu.dma_semaphore, #tpu.memory_space<semaphore_mem>>)
      %dma_wait3A_41 = arith.constant 0 : i32
      %dma_wait3A_42 = tpu.memref_slice %arg7[%mul3A_2, %dma_wait3A_41] : memref<16384x32xf32, #tpu.memory_space<hbm>> -> memref<512x32xf32, #tpu.memory_space<hbm>>
      %dma_wait3A_43 = arith.constant 0 : i32
      %dma_wait3A_44 = tpu.memref_slice %arg7[%mul3A_2, %dma_wait3A_43] : memref<16384x32xf32, #tpu.memory_space<hbm>> -> memref<512x32xf32, #tpu.memory_space<hbm>>
      tpu.wait_dma2 semaphore(%run_scoped3A : memref<!tpu.dma_semaphore, #tpu.memory_space<semaphore_mem>>) src(%arg11 : memref<512x32xf32, #tpu.memory_space<vmem>>) dst(%dma_wait3A_44 : memref<512x32xf32, #tpu.memory_space<hbm>>)
      tpu.yield
    }) : () -> ()
    "tpu.region"() ({
      %run_scoped3A = tpu.sem_alloc : memref<!tpu.dma_semaphore, #tpu.memory_space<semaphore_mem>>
      %dma_start3A = tpu.memref_slice %arg3[%mul3A_2] : memref<16384xi32, #tpu.memory_space<hbm>> -> memref<512xi32, #tpu.memory_space<hbm>>
      %dma_start3A_38 = tpu.memref_slice %arg3[%mul3A_2] : memref<16384xi32, #tpu.memory_space<hbm>> -> memref<512xi32, #tpu.memory_space<hbm>>
      tpu.enqueue_dma source(%dma_start3A_38 : memref<512xi32, #tpu.memory_space<hbm>>) target(%arg10 : memref<512xi32, #tpu.memory_space<vmem>>) target_semaphore(%run_scoped3A : memref<!tpu.dma_semaphore, #tpu.memory_space<semaphore_mem>>)
      %dma_wait3A_39 = tpu.memref_slice %arg3[%mul3A_2] : memref<16384xi32, #tpu.memory_space<hbm>> -> memref<512xi32, #tpu.memory_space<hbm>>
      %dma_wait3A_40 = tpu.memref_slice %arg3[%mul3A_2] : memref<16384xi32, #tpu.memory_space<hbm>> -> memref<512xi32, #tpu.memory_space<hbm>>
      tpu.wait_dma2 semaphore(%run_scoped3A : memref<!tpu.dma_semaphore, #tpu.memory_space<semaphore_mem>>) src(%dma_wait3A_40 : memref<512xi32, #tpu.memory_space<hbm>>) dst(%arg10 : memref<512xi32, #tpu.memory_space<vmem>>)
      tpu.yield
    }) : () -> ()
    %scan3A_14 = arith.constant 0 : i32
    %scan3A_15 = arith.constant 0 : i32
    %scan3A_16 = arith.constant 32 : i32
    %scan3A_17 = arith.addi %scan3A_15, %scan3A_16 : i32
    %scan3A_18 = arith.constant 1 : i32
    scf.for %scan3A_38 = %scan3A_15 to %scan3A_17 step %scan3A_18  : i32 {
      %mul3A_39 = arith.constant 16 : i32
      %mul3A_40 = arith.muli %scan3A_38, %mul3A_39 : i32
      %multiple_of3A = tpu.assume_multiple %mul3A_40, 16 : i32
      %get3A = arith.index_cast %multiple_of3A : i32 to index
      %get3A_41 = tpu.vector_load %arg10[%get3A] {strides = array<i32>} : memref<512xi32, #tpu.memory_space<vmem>>, vector<16xi32>,
      %eq3A = arith.constant 0 : i32
      %eq3A_42 = vector.broadcast %eq3A : i32 to vector<16xi32>
      %eq3A_43 = arith.cmpi eq, %iota3A, %eq3A_42 : vector<16xi32>
      %select_n3A = arith.select %eq3A_43, %get3A_41, %broadcast_in_dim3A_3 : vector<16xi1>, vector<16xi32>
      %reduce_sum3A = arith.constant true
      %reduce_sum3A_44 = vector.broadcast %reduce_sum3A : i1 to vector<16xi1>
      %reduce_sum3A_45 = tpu.scan <sum>, %select_n3A masked %reduce_sum3A_44 : vector<16xi32>, vector<16xi1> -> vector<16xi32>
      %reduce_sum3A_46 = vector.extract %reduce_sum3A_45[15] : i32 from vector<16xi32>
      %mul3A_47 = arith.constant 16 : i32
      %mul3A_48 = arith.muli %scan3A_38, %mul3A_47 : i32
      %add3A_49 = arith.constant 0 : i32
      %add3A_50 = arith.addi %mul3A_48, %add3A_49 : i32
      %dma_start3A = arith.constant 0 : i32
      %dma_start3A_51 = tpu.memref_slice %arg11[%add3A_50, %dma_start3A] : memref<512x32xf32, #tpu.memory_space<vmem>> -> memref<1x32xf32, #tpu.memory_space<vmem>>
      %dma_start3A_52 = arith.constant 0 : i32
      %dma_start3A_53 = tpu.memref_slice %arg6[%reduce_sum3A_46, %dma_start3A_52] : memref<1000000x32xf32, #tpu.memory_space<hbm>> -> memref<1x32xf32, #tpu.memory_space<hbm>>
      %dma_start3A_54 = arith.constant 0 : i32
      %dma_start3A_55 = tpu.memref_slice %arg11[%add3A_50, %dma_start3A_54] : memref<512x32xf32, #tpu.memory_space<vmem>> -> memref<1x32xf32, #tpu.memory_space<vmem>>
      %dma_start3A_56 = arith.constant 0 : i32
      %dma_start3A_57 = tpu.memref_slice %arg6[%reduce_sum3A_46, %dma_start3A_56] : memref<1000000x32xf32, #tpu.memory_space<hbm>> -> memref<1x32xf32, #tpu.memory_space<hbm>>
      tpu.enqueue_dma source(%dma_start3A_57 : memref<1x32xf32, #tpu.memory_space<hbm>>) target(%dma_start3A_55 : memref<1x32xf32, #tpu.memory_space<vmem>>) target_semaphore(%arg12 : memref<!tpu.dma_semaphore, #tpu.memory_space<semaphore_mem>>)
      %eq3A_58 = arith.constant 1 : i32
      %eq3A_59 = vector.broadcast %eq3A_58 : i32 to vector<16xi32>
      %eq3A_60 = arith.cmpi eq, %iota3A, %eq3A_59 : vector<16xi32>
      %select_n3A_61 = arith.select %eq3A_60, %get3A_41, %broadcast_in_dim3A_3 : vector<16xi1>, vector<16xi32>
      %reduce_sum3A_62 = arith.constant true
      %reduce_sum3A_63 = vector.broadcast %reduce_sum3A_62 : i1 to vector<16xi1>
      %reduce_sum3A_64 = tpu.scan <sum>, %select_n3A_61 masked %reduce_sum3A_63 : vector<16xi32>, vector<16xi1> -> vector<16xi32>
      %reduce_sum3A_65 = vector.extract %reduce_sum3A_64[15] : i32 from vector<16xi32>
      %mul3A_66 = arith.constant 16 : i32
      %mul3A_67 = arith.muli %scan3A_38, %mul3A_66 : i32
      %add3A_68 = arith.constant 1 : i32
      %add3A_69 = arith.addi %mul3A_67, %add3A_68 : i32
      %dma_start3A_70 = arith.constant 0 : i32
      %dma_start3A_71 = tpu.memref_slice %arg11[%add3A_69, %dma_start3A_70] : memref<512x32xf32, #tpu.memory_space<vmem>> -> memref<1x32xf32, #tpu.memory_space<vmem>>
      %dma_start3A_72 = arith.constant 0 : i32
      %dma_start3A_73 = tpu.memref_slice %arg6[%reduce_sum3A_65, %dma_start3A_72] : memref<1000000x32xf32, #tpu.memory_space<hbm>> -> memref<1x32xf32, #tpu.memory_space<hbm>>
      %dma_start3A_74 = arith.constant 0 : i32
      %dma_start3A_75 = tpu.memref_slice %arg11[%add3A_69, %dma_start3A_74] : memref<512x32xf32, #tpu.memory_space<vmem>> -> memref<1x32xf32, #tpu.memory_space<vmem>>
      %dma_start3A_76 = arith.constant 0 : i32
      %dma_start3A_77 = tpu.memref_slice %arg6[%reduce_sum3A_65, %dma_start3A_76] : memref<1000000x32xf32, #tpu.memory_space<hbm>> -> memref<1x32xf32, #tpu.memory_space<hbm>>
      tpu.enqueue_dma source(%dma_start3A_77 : memref<1x32xf32, #tpu.memory_space<hbm>>) target(%dma_start3A_75 : memref<1x32xf32, #tpu.memory_space<vmem>>) target_semaphore(%arg12 : memref<!tpu.dma_semaphore, #tpu.memory_space<semaphore_mem>>)
      %eq3A_78 = arith.constant 2 : i32
      %eq3A_79 = vector.broadcast %eq3A_78 : i32 to vector<16xi32>
      %eq3A_80 = arith.cmpi eq, %iota3A, %eq3A_79 : vector<16xi32>
      %select_n3A_81 = arith.select %eq3A_80, %get3A_41, %broadcast_in_dim3A_3 : vector<16xi1>, vector<16xi32>
      %reduce_sum3A_82 = arith.constant true
      %reduce_sum3A_83 = vector.broadcast %reduce_sum3A_82 : i1 to vector<16xi1>
      %reduce_sum3A_84 = tpu.scan <sum>, %select_n3A_81 masked %reduce_sum3A_83 : vector<16xi32>, vector<16xi1> -> vector<16xi32>
      %reduce_sum3A_85 = vector.extract %reduce_sum3A_84[15] : i32 from vector<16xi32>
      %mul3A_86 = arith.constant 16 : i32
      %mul3A_87 = arith.muli %scan3A_38, %mul3A_86 : i32
      %add3A_88 = arith.constant 2 : i32
      %add3A_89 = arith.addi %mul3A_87, %add3A_88 : i32
      %dma_start3A_90 = arith.constant 0 : i32
      %dma_start3A_91 = tpu.memref_slice %arg11[%add3A_89, %dma_start3A_90] : memref<512x32xf32, #tpu.memory_space<vmem>> -> memref<1x32xf32, #tpu.memory_space<vmem>>
      %dma_start3A_92 = arith.constant 0 : i32
      %dma_start3A_93 = tpu.memref_slice %arg6[%reduce_sum3A_85, %dma_start3A_92] : memref<1000000x32xf32, #tpu.memory_space<hbm>> -> memref<1x32xf32, #tpu.memory_space<hbm>>
      %dma_start3A_94 = arith.constant 0 : i32
      %dma_start3A_95 = tpu.memref_slice %arg11[%add3A_89, %dma_start3A_94] : memref<512x32xf32, #tpu.memory_space<vmem>> -> memref<1x32xf32, #tpu.memory_space<vmem>>
      %dma_start3A_96 = arith.constant 0 : i32
      %dma_start3A_97 = tpu.memref_slice %arg6[%reduce_sum3A_85, %dma_start3A_96] : memref<1000000x32xf32, #tpu.memory_space<hbm>> -> memref<1x32xf32, #tpu.memory_space<hbm>>
      tpu.enqueue_dma source(%dma_start3A_97 : memref<1x32xf32, #tpu.memory_space<hbm>>) target(%dma_start3A_95 : memref<1x32xf32, #tpu.memory_space<vmem>>) target_semaphore(%arg12 : memref<!tpu.dma_semaphore, #tpu.memory_space<semaphore_mem>>)
      %eq3A_98 = arith.constant 3 : i32
      %eq3A_99 = vector.broadcast %eq3A_98 : i32 to vector<16xi32>
      %eq3A_100 = arith.cmpi eq, %iota3A, %eq3A_99 : vector<16xi32>
      %select_n3A_101 = arith.select %eq3A_100, %get3A_41, %broadcast_in_dim3A_3 : vector<16xi1>, vector<16xi32>
      %reduce_sum3A_102 = arith.constant true
      %reduce_sum3A_103 = vector.broadcast %reduce_sum3A_102 : i1 to vector<16xi1>
      %reduce_sum3A_104 = tpu.scan <sum>, %select_n3A_101 masked %reduce_sum3A_103 : vector<16xi32>, vector<16xi1> -> vector<16xi32>
      %reduce_sum3A_105 = vector.extract %reduce_sum3A_104[15] : i32 from vector<16xi32>
      %mul3A_106 = arith.constant 16 : i32
      %mul3A_107 = arith.muli %scan3A_38, %mul3A_106 : i32
      %add3A_108 = arith.constant 3 : i32
      %add3A_109 = arith.addi %mul3A_107, %add3A_108 : i32
      %dma_start3A_110 = arith.constant 0 : i32
      %dma_start3A_111 = tpu.memref_slice %arg11[%add3A_109, %dma_start3A_110] : memref<512x32xf32, #tpu.memory_space<vmem>> -> memref<1x32xf32, #tpu.memory_space<vmem>>
      %dma_start3A_112 = arith.constant 0 : i32
      %dma_start3A_113 = tpu.memref_slice %arg6[%reduce_sum3A_105, %dma_start3A_112] : memref<1000000x32xf32, #tpu.memory_space<hbm>> -> memref<1x32xf32, #tpu.memory_space<hbm>>
      %dma_start3A_114 = arith.constant 0 : i32
      %dma_start3A_115 = tpu.memref_slice %arg11[%add3A_109, %dma_start3A_114] : memref<512x32xf32, #tpu.memory_space<vmem>> -> memref<1x32xf32, #tpu.memory_space<vmem>>
      %dma_start3A_116 = arith.constant 0 : i32
      %dma_start3A_117 = tpu.memref_slice %arg6[%reduce_sum3A_105, %dma_start3A_116] : memref<1000000x32xf32, #tpu.memory_space<hbm>> -> memref<1x32xf32, #tpu.memory_space<hbm>>
      tpu.enqueue_dma source(%dma_start3A_117 : memref<1x32xf32, #tpu.memory_space<hbm>>) target(%dma_start3A_115 : memref<1x32xf32, #tpu.memory_space<vmem>>) target_semaphore(%arg12 : memref<!tpu.dma_semaphore, #tpu.memory_space<semaphore_mem>>)
      %eq3A_118 = arith.constant 4 : i32
      %eq3A_119 = vector.broadcast %eq3A_118 : i32 to vector<16xi32>
      %eq3A_120 = arith.cmpi eq, %iota3A, %eq3A_119 : vector<16xi32>
      %select_n3A_121 = arith.select %eq3A_120, %get3A_41, %broadcast_in_dim3A_3 : vector<16xi1>, vector<16xi32>
      %reduce_sum3A_122 = arith.constant true
      %reduce_sum3A_123 = vector.broadcast %reduce_sum3A_122 : i1 to vector<16xi1>
      %reduce_sum3A_124 = tpu.scan <sum>, %select_n3A_121 masked %reduce_sum3A_123 : vector<16xi32>, vector<16xi1> -> vector<16xi32>
      %reduce_sum3A_125 = vector.extract %reduce_sum3A_124[15] : i32 from vector<16xi32>
      %mul3A_126 = arith.constant 16 : i32
      %mul3A_127 = arith.muli %scan3A_38, %mul3A_126 : i32
      %add3A_128 = arith.constant 4 : i32
      %add3A_129 = arith.addi %mul3A_127, %add3A_128 : i32
      %dma_start3A_130 = arith.constant 0 : i32
      %dma_start3A_131 = tpu.memref_slice %arg11[%add3A_129, %dma_start3A_130] : memref<512x32xf32, #tpu.memory_space<vmem>> -> memref<1x32xf32, #tpu.memory_space<vmem>>
      %dma_start3A_132 = arith.constant 0 : i32
      %dma_start3A_133 = tpu.memref_slice %arg6[%reduce_sum3A_125, %dma_start3A_132] : memref<1000000x32xf32, #tpu.memory_space<hbm>> -> memref<1x32xf32, #tpu.memory_space<hbm>>
      %dma_start3A_134 = arith.constant 0 : i32
      %dma_start3A_135 = tpu.memref_slice %arg11[%add3A_129, %dma_start3A_134] : memref<512x32xf32, #tpu.memory_space<vmem>> -> memref<1x32xf32, #tpu.memory_space<vmem>>
      %dma_start3A_136 = arith.constant 0 : i32
      %dma_start3A_137 = tpu.memref_slice %arg6[%reduce_sum3A_125, %dma_start3A_136] : memref<1000000x32xf32, #tpu.memory_space<hbm>> -> memref<1x32xf32, #tpu.memory_space<hbm>>
      tpu.enqueue_dma source(%dma_start3A_137 : memref<1x32xf32, #tpu.memory_space<hbm>>) target(%dma_start3A_135 : memref<1x32xf32, #tpu.memory_space<vmem>>) target_semaphore(%arg12 : memref<!tpu.dma_semaphore, #tpu.memory_space<semaphore_mem>>)
      %eq3A_138 = arith.constant 5 : i32
      %eq3A_139 = vector.broadcast %eq3A_138 : i32 to vector<16xi32>
      %eq3A_140 = arith.cmpi eq, %iota3A, %eq3A_139 : vector<16xi32>
      %select_n3A_141 = arith.select %eq3A_140, %get3A_41, %broadcast_in_dim3A_3 : vector<16xi1>, vector<16xi32>
      %reduce_sum3A_142 = arith.constant true
      %reduce_sum3A_143 = vector.broadcast %reduce_sum3A_142 : i1 to vector<16xi1>
      %reduce_sum3A_144 = tpu.scan <sum>, %select_n3A_141 masked %reduce_sum3A_143 : vector<16xi32>, vector<16xi1> -> vector<16xi32>
      %reduce_sum3A_145 = vector.extract %reduce_sum3A_144[15] : i32 from vector<16xi32>
      %mul3A_146 = arith.constant 16 : i32
      %mul3A_147 = arith.muli %scan3A_38, %mul3A_146 : i32
      %add3A_148 = arith.constant 5 : i32
      %add3A_149 = arith.addi %mul3A_147, %add3A_148 : i32
      %dma_start3A_150 = arith.constant 0 : i32
      %dma_start3A_151 = tpu.memref_slice %arg11[%add3A_149, %dma_start3A_150] : memref<512x32xf32, #tpu.memory_space<vmem>> -> memref<1x32xf32, #tpu.memory_space<vmem>>
      %dma_start3A_152 = arith.constant 0 : i32
      %dma_start3A_153 = tpu.memref_slice %arg6[%reduce_sum3A_145, %dma_start3A_152] : memref<1000000x32xf32, #tpu.memory_space<hbm>> -> memref<1x32xf32, #tpu.memory_space<hbm>>
      %dma_start3A_154 = arith.constant 0 : i32
      %dma_start3A_155 = tpu.memref_slice %arg11[%add3A_149, %dma_start3A_154] : memref<512x32xf32, #tpu.memory_space<vmem>> -> memref<1x32xf32, #tpu.memory_space<vmem>>
      %dma_start3A_156 = arith.constant 0 : i32
      %dma_start3A_157 = tpu.memref_slice %arg6[%reduce_sum3A_145, %dma_start3A_156] : memref<1000000x32xf32, #tpu.memory_space<hbm>> -> memref<1x32xf32, #tpu.memory_space<hbm>>
      tpu.enqueue_dma source(%dma_start3A_157 : memref<1x32xf32, #tpu.memory_space<hbm>>) target(%dma_start3A_155 : memref<1x32xf32, #tpu.memory_space<vmem>>) target_semaphore(%arg12 : memref<!tpu.dma_semaphore, #tpu.memory_space<semaphore_mem>>)
      %eq3A_158 = arith.constant 6 : i32
      %eq3A_159 = vector.broadcast %eq3A_158 : i32 to vector<16xi32>
      %eq3A_160 = arith.cmpi eq, %iota3A, %eq3A_159 : vector<16xi32>
      %select_n3A_161 = arith.select %eq3A_160, %get3A_41, %broadcast_in_dim3A_3 : vector<16xi1>, vector<16xi32>
      %reduce_sum3A_162 = arith.constant true
      %reduce_sum3A_163 = vector.broadcast %reduce_sum3A_162 : i1 to vector<16xi1>
      %reduce_sum3A_164 = tpu.scan <sum>, %select_n3A_161 masked %reduce_sum3A_163 : vector<16xi32>, vector<16xi1> -> vector<16xi32>
      %reduce_sum3A_165 = vector.extract %reduce_sum3A_164[15] : i32 from vector<16xi32>
      %mul3A_166 = arith.constant 16 : i32
      %mul3A_167 = arith.muli %scan3A_38, %mul3A_166 : i32
      %add3A_168 = arith.constant 6 : i32
      %add3A_169 = arith.addi %mul3A_167, %add3A_168 : i32
      %dma_start3A_170 = arith.constant 0 : i32
      %dma_start3A_171 = tpu.memref_slice %arg11[%add3A_169, %dma_start3A_170] : memref<512x32xf32, #tpu.memory_space<vmem>> -> memref<1x32xf32, #tpu.memory_space<vmem>>
      %dma_start3A_172 = arith.constant 0 : i32
      %dma_start3A_173 = tpu.memref_slice %arg6[%reduce_sum3A_165, %dma_start3A_172] : memref<1000000x32xf32, #tpu.memory_space<hbm>> -> memref<1x32xf32, #tpu.memory_space<hbm>>
      %dma_start3A_174 = arith.constant 0 : i32
      %dma_start3A_175 = tpu.memref_slice %arg11[%add3A_169, %dma_start3A_174] : memref<512x32xf32, #tpu.memory_space<vmem>> -> memref<1x32xf32, #tpu.memory_space<vmem>>
      %dma_start3A_176 = arith.constant 0 : i32
      %dma_start3A_177 = tpu.memref_slice %arg6[%reduce_sum3A_165, %dma_start3A_176] : memref<1000000x32xf32, #tpu.memory_space<hbm>> -> memref<1x32xf32, #tpu.memory_space<hbm>>
      tpu.enqueue_dma source(%dma_start3A_177 : memref<1x32xf32, #tpu.memory_space<hbm>>) target(%dma_start3A_175 : memref<1x32xf32, #tpu.memory_space<vmem>>) target_semaphore(%arg12 : memref<!tpu.dma_semaphore, #tpu.memory_space<semaphore_mem>>)
      %eq3A_178 = arith.constant 7 : i32
      %eq3A_179 = vector.broadcast %eq3A_178 : i32 to vector<16xi32>
      %eq3A_180 = arith.cmpi eq, %iota3A, %eq3A_179 : vector<16xi32>
      %select_n3A_181 = arith.select %eq3A_180, %get3A_41, %broadcast_in_dim3A_3 : vector<16xi1>, vector<16xi32>
      %reduce_sum3A_182 = arith.constant true
      %reduce_sum3A_183 = vector.broadcast %reduce_sum3A_182 : i1 to vector<16xi1>
      %reduce_sum3A_184 = tpu.scan <sum>, %select_n3A_181 masked %reduce_sum3A_183 : vector<16xi32>, vector<16xi1> -> vector<16xi32>
      %reduce_sum3A_185 = vector.extract %reduce_sum3A_184[15] : i32 from vector<16xi32>
      %mul3A_186 = arith.constant 16 : i32
      %mul3A_187 = arith.muli %scan3A_38, %mul3A_186 : i32
      %add3A_188 = arith.constant 7 : i32
      %add3A_189 = arith.addi %mul3A_187, %add3A_188 : i32
      %dma_start3A_190 = arith.constant 0 : i32
      %dma_start3A_191 = tpu.memref_slice %arg11[%add3A_189, %dma_start3A_190] : memref<512x32xf32, #tpu.memory_space<vmem>> -> memref<1x32xf32, #tpu.memory_space<vmem>>
      %dma_start3A_192 = arith.constant 0 : i32
      %dma_start3A_193 = tpu.memref_slice %arg6[%reduce_sum3A_185, %dma_start3A_192] : memref<1000000x32xf32, #tpu.memory_space<hbm>> -> memref<1x32xf32, #tpu.memory_space<hbm>>
      %dma_start3A_194 = arith.constant 0 : i32
      %dma_start3A_195 = tpu.memref_slice %arg11[%add3A_189, %dma_start3A_194] : memref<512x32xf32, #tpu.memory_space<vmem>> -> memref<1x32xf32, #tpu.memory_space<vmem>>
      %dma_start3A_196 = arith.constant 0 : i32
      %dma_start3A_197 = tpu.memref_slice %arg6[%reduce_sum3A_185, %dma_start3A_196] : memref<1000000x32xf32, #tpu.memory_space<hbm>> -> memref<1x32xf32, #tpu.memory_space<hbm>>
      tpu.enqueue_dma source(%dma_start3A_197 : memref<1x32xf32, #tpu.memory_space<hbm>>) target(%dma_start3A_195 : memref<1x32xf32, #tpu.memory_space<vmem>>) target_semaphore(%arg12 : memref<!tpu.dma_semaphore, #tpu.memory_space<semaphore_mem>>)
      %eq3A_198 = arith.constant 8 : i32
      %eq3A_199 = vector.broadcast %eq3A_198 : i32 to vector<16xi32>
      %eq3A_200 = arith.cmpi eq, %iota3A, %eq3A_199 : vector<16xi32>
      %select_n3A_201 = arith.select %eq3A_200, %get3A_41, %broadcast_in_dim3A_3 : vector<16xi1>, vector<16xi32>
      %reduce_sum3A_202 = arith.constant true
      %reduce_sum3A_203 = vector.broadcast %reduce_sum3A_202 : i1 to vector<16xi1>
      %reduce_sum3A_204 = tpu.scan <sum>, %select_n3A_201 masked %reduce_sum3A_203 : vector<16xi32>, vector<16xi1> -> vector<16xi32>
      %reduce_sum3A_205 = vector.extract %reduce_sum3A_204[15] : i32 from vector<16xi32>
      %mul3A_206 = arith.constant 16 : i32
      %mul3A_207 = arith.muli %scan3A_38, %mul3A_206 : i32
      %add3A_208 = arith.constant 8 : i32
      %add3A_209 = arith.addi %mul3A_207, %add3A_208 : i32
      %dma_start3A_210 = arith.constant 0 : i32
      %dma_start3A_211 = tpu.memref_slice %arg11[%add3A_209, %dma_start3A_210] : memref<512x32xf32, #tpu.memory_space<vmem>> -> memref<1x32xf32, #tpu.memory_space<vmem>>
      %dma_start3A_212 = arith.constant 0 : i32
      %dma_start3A_213 = tpu.memref_slice %arg6[%reduce_sum3A_205, %dma_start3A_212] : memref<1000000x32xf32, #tpu.memory_space<hbm>> -> memref<1x32xf32, #tpu.memory_space<hbm>>
      %dma_start3A_214 = arith.constant 0 : i32
      %dma_start3A_215 = tpu.memref_slice %arg11[%add3A_209, %dma_start3A_214] : memref<512x32xf32, #tpu.memory_space<vmem>> -> memref<1x32xf32, #tpu.memory_space<vmem>>
      %dma_start3A_216 = arith.constant 0 : i32
      %dma_start3A_217 = tpu.memref_slice %arg6[%reduce_sum3A_205, %dma_start3A_216] : memref<1000000x32xf32, #tpu.memory_space<hbm>> -> memref<1x32xf32, #tpu.memory_space<hbm>>
      tpu.enqueue_dma source(%dma_start3A_217 : memref<1x32xf32, #tpu.memory_space<hbm>>) target(%dma_start3A_215 : memref<1x32xf32, #tpu.memory_space<vmem>>) target_semaphore(%arg12 : memref<!tpu.dma_semaphore, #tpu.memory_space<semaphore_mem>>)
      %eq3A_218 = arith.constant 9 : i32
      %eq3A_219 = vector.broadcast %eq3A_218 : i32 to vector<16xi32>
      %eq3A_220 = arith.cmpi eq, %iota3A, %eq3A_219 : vector<16xi32>
      %select_n3A_221 = arith.select %eq3A_220, %get3A_41, %broadcast_in_dim3A_3 : vector<16xi1>, vector<16xi32>
      %reduce_sum3A_222 = arith.constant true
      %reduce_sum3A_223 = vector.broadcast %reduce_sum3A_222 : i1 to vector<16xi1>
      %reduce_sum3A_224 = tpu.scan <sum>, %select_n3A_221 masked %reduce_sum3A_223 : vector<16xi32>, vector<16xi1> -> vector<16xi32>
      %reduce_sum3A_225 = vector.extract %reduce_sum3A_224[15] : i32 from vector<16xi32>
      %mul3A_226 = arith.constant 16 : i32
      %mul3A_227 = arith.muli %scan3A_38, %mul3A_226 : i32
      %add3A_228 = arith.constant 9 : i32
      %add3A_229 = arith.addi %mul3A_227, %add3A_228 : i32
      %dma_start3A_230 = arith.constant 0 : i32
      %dma_start3A_231 = tpu.memref_slice %arg11[%add3A_229, %dma_start3A_230] : memref<512x32xf32, #tpu.memory_space<vmem>> -> memref<1x32xf32, #tpu.memory_space<vmem>>
      %dma_start3A_232 = arith.constant 0 : i32
      %dma_start3A_233 = tpu.memref_slice %arg6[%reduce_sum3A_225, %dma_start3A_232] : memref<1000000x32xf32, #tpu.memory_space<hbm>> -> memref<1x32xf32, #tpu.memory_space<hbm>>
      %dma_start3A_234 = arith.constant 0 : i32
      %dma_start3A_235 = tpu.memref_slice %arg11[%add3A_229, %dma_start3A_234] : memref<512x32xf32, #tpu.memory_space<vmem>> -> memref<1x32xf32, #tpu.memory_space<vmem>>
      %dma_start3A_236 = arith.constant 0 : i32
      %dma_start3A_237 = tpu.memref_slice %arg6[%reduce_sum3A_225, %dma_start3A_236] : memref<1000000x32xf32, #tpu.memory_space<hbm>> -> memref<1x32xf32, #tpu.memory_space<hbm>>
      tpu.enqueue_dma source(%dma_start3A_237 : memref<1x32xf32, #tpu.memory_space<hbm>>) target(%dma_start3A_235 : memref<1x32xf32, #tpu.memory_space<vmem>>) target_semaphore(%arg12 : memref<!tpu.dma_semaphore, #tpu.memory_space<semaphore_mem>>)
      %eq3A_238 = arith.constant 10 : i32
      %eq3A_239 = vector.broadcast %eq3A_238 : i32 to vector<16xi32>
      %eq3A_240 = arith.cmpi eq, %iota3A, %eq3A_239 : vector<16xi32>
      %select_n3A_241 = arith.select %eq3A_240, %get3A_41, %broadcast_in_dim3A_3 : vector<16xi1>, vector<16xi32>
      %reduce_sum3A_242 = arith.constant true
      %reduce_sum3A_243 = vector.broadcast %reduce_sum3A_242 : i1 to vector<16xi1>
      %reduce_sum3A_244 = tpu.scan <sum>, %select_n3A_241 masked %reduce_sum3A_243 : vector<16xi32>, vector<16xi1> -> vector<16xi32>
      %reduce_sum3A_245 = vector.extract %reduce_sum3A_244[15] : i32 from vector<16xi32>
      %mul3A_246 = arith.constant 16 : i32
      %mul3A_247 = arith.muli %scan3A_38, %mul3A_246 : i32
      %add3A_248 = arith.constant 10 : i32
      %add3A_249 = arith.addi %mul3A_247, %add3A_248 : i32
      %dma_start3A_250 = arith.constant 0 : i32
      %dma_start3A_251 = tpu.memref_slice %arg11[%add3A_249, %dma_start3A_250] : memref<512x32xf32, #tpu.memory_space<vmem>> -> memref<1x32xf32, #tpu.memory_space<vmem>>
      %dma_start3A_252 = arith.constant 0 : i32
      %dma_start3A_253 = tpu.memref_slice %arg6[%reduce_sum3A_245, %dma_start3A_252] : memref<1000000x32xf32, #tpu.memory_space<hbm>> -> memref<1x32xf32, #tpu.memory_space<hbm>>
      %dma_start3A_254 = arith.constant 0 : i32
      %dma_start3A_255 = tpu.memref_slice %arg11[%add3A_249, %dma_start3A_254] : memref<512x32xf32, #tpu.memory_space<vmem>> -> memref<1x32xf32, #tpu.memory_space<vmem>>
      %dma_start3A_256 = arith.constant 0 : i32
      %dma_start3A_257 = tpu.memref_slice %arg6[%reduce_sum3A_245, %dma_start3A_256] : memref<1000000x32xf32, #tpu.memory_space<hbm>> -> memref<1x32xf32, #tpu.memory_space<hbm>>
      tpu.enqueue_dma source(%dma_start3A_257 : memref<1x32xf32, #tpu.memory_space<hbm>>) target(%dma_start3A_255 : memref<1x32xf32, #tpu.memory_space<vmem>>) target_semaphore(%arg12 : memref<!tpu.dma_semaphore, #tpu.memory_space<semaphore_mem>>)
      %eq3A_258 = arith.constant 11 : i32
      %eq3A_259 = vector.broadcast %eq3A_258 : i32 to vector<16xi32>
      %eq3A_260 = arith.cmpi eq, %iota3A, %eq3A_259 : vector<16xi32>
      %select_n3A_261 = arith.select %eq3A_260, %get3A_41, %broadcast_in_dim3A_3 : vector<16xi1>, vector<16xi32>
      %reduce_sum3A_262 = arith.constant true
      %reduce_sum3A_263 = vector.broadcast %reduce_sum3A_262 : i1 to vector<16xi1>
      %reduce_sum3A_264 = tpu.scan <sum>, %select_n3A_261 masked %reduce_sum3A_263 : vector<16xi32>, vector<16xi1> -> vector<16xi32>
      %reduce_sum3A_265 = vector.extract %reduce_sum3A_264[15] : i32 from vector<16xi32>
      %mul3A_266 = arith.constant 16 : i32
      %mul3A_267 = arith.muli %scan3A_38, %mul3A_266 : i32
      %add3A_268 = arith.constant 11 : i32
      %add3A_269 = arith.addi %mul3A_267, %add3A_268 : i32
      %dma_start3A_270 = arith.constant 0 : i32
      %dma_start3A_271 = tpu.memref_slice %arg11[%add3A_269, %dma_start3A_270] : memref<512x32xf32, #tpu.memory_space<vmem>> -> memref<1x32xf32, #tpu.memory_space<vmem>>
      %dma_start3A_272 = arith.constant 0 : i32
      %dma_start3A_273 = tpu.memref_slice %arg6[%reduce_sum3A_265, %dma_start3A_272] : memref<1000000x32xf32, #tpu.memory_space<hbm>> -> memref<1x32xf32, #tpu.memory_space<hbm>>
      %dma_start3A_274 = arith.constant 0 : i32
      %dma_start3A_275 = tpu.memref_slice %arg11[%add3A_269, %dma_start3A_274] : memref<512x32xf32, #tpu.memory_space<vmem>> -> memref<1x32xf32, #tpu.memory_space<vmem>>
      %dma_start3A_276 = arith.constant 0 : i32
      %dma_start3A_277 = tpu.memref_slice %arg6[%reduce_sum3A_265, %dma_start3A_276] : memref<1000000x32xf32, #tpu.memory_space<hbm>> -> memref<1x32xf32, #tpu.memory_space<hbm>>
      tpu.enqueue_dma source(%dma_start3A_277 : memref<1x32xf32, #tpu.memory_space<hbm>>) target(%dma_start3A_275 : memref<1x32xf32, #tpu.memory_space<vmem>>) target_semaphore(%arg12 : memref<!tpu.dma_semaphore, #tpu.memory_space<semaphore_mem>>)
      %eq3A_278 = arith.constant 12 : i32
      %eq3A_279 = vector.broadcast %eq3A_278 : i32 to vector<16xi32>
      %eq3A_280 = arith.cmpi eq, %iota3A, %eq3A_279 : vector<16xi32>
      %select_n3A_281 = arith.select %eq3A_280, %get3A_41, %broadcast_in_dim3A_3 : vector<16xi1>, vector<16xi32>
      %reduce_sum3A_282 = arith.constant true
      %reduce_sum3A_283 = vector.broadcast %reduce_sum3A_282 : i1 to vector<16xi1>
      %reduce_sum3A_284 = tpu.scan <sum>, %select_n3A_281 masked %reduce_sum3A_283 : vector<16xi32>, vector<16xi1> -> vector<16xi32>
      %reduce_sum3A_285 = vector.extract %reduce_sum3A_284[15] : i32 from vector<16xi32>
      %mul3A_286 = arith.constant 16 : i32
      %mul3A_287 = arith.muli %scan3A_38, %mul3A_286 : i32
      %add3A_288 = arith.constant 12 : i32
      %add3A_289 = arith.addi %mul3A_287, %add3A_288 : i32
      %dma_start3A_290 = arith.constant 0 : i32
      %dma_start3A_291 = tpu.memref_slice %arg11[%add3A_289, %dma_start3A_290] : memref<512x32xf32, #tpu.memory_space<vmem>> -> memref<1x32xf32, #tpu.memory_space<vmem>>
      %dma_start3A_292 = arith.constant 0 : i32
      %dma_start3A_293 = tpu.memref_slice %arg6[%reduce_sum3A_285, %dma_start3A_292] : memref<1000000x32xf32, #tpu.memory_space<hbm>> -> memref<1x32xf32, #tpu.memory_space<hbm>>
      %dma_start3A_294 = arith.constant 0 : i32
      %dma_start3A_295 = tpu.memref_slice %arg11[%add3A_289, %dma_start3A_294] : memref<512x32xf32, #tpu.memory_space<vmem>> -> memref<1x32xf32, #tpu.memory_space<vmem>>
      %dma_start3A_296 = arith.constant 0 : i32
      %dma_start3A_297 = tpu.memref_slice %arg6[%reduce_sum3A_285, %dma_start3A_296] : memref<1000000x32xf32, #tpu.memory_space<hbm>> -> memref<1x32xf32, #tpu.memory_space<hbm>>
      tpu.enqueue_dma source(%dma_start3A_297 : memref<1x32xf32, #tpu.memory_space<hbm>>) target(%dma_start3A_295 : memref<1x32xf32, #tpu.memory_space<vmem>>) target_semaphore(%arg12 : memref<!tpu.dma_semaphore, #tpu.memory_space<semaphore_mem>>)
      %eq3A_298 = arith.constant 13 : i32
      %eq3A_299 = vector.broadcast %eq3A_298 : i32 to vector<16xi32>
      %eq3A_300 = arith.cmpi eq, %iota3A, %eq3A_299 : vector<16xi32>
      %select_n3A_301 = arith.select %eq3A_300, %get3A_41, %broadcast_in_dim3A_3 : vector<16xi1>, vector<16xi32>
      %reduce_sum3A_302 = arith.constant true
      %reduce_sum3A_303 = vector.broadcast %reduce_sum3A_302 : i1 to vector<16xi1>
      %reduce_sum3A_304 = tpu.scan <sum>, %select_n3A_301 masked %reduce_sum3A_303 : vector<16xi32>, vector<16xi1> -> vector<16xi32>
      %reduce_sum3A_305 = vector.extract %reduce_sum3A_304[15] : i32 from vector<16xi32>
      %mul3A_306 = arith.constant 16 : i32
      %mul3A_307 = arith.muli %scan3A_38, %mul3A_306 : i32
      %add3A_308 = arith.constant 13 : i32
      %add3A_309 = arith.addi %mul3A_307, %add3A_308 : i32
      %dma_start3A_310 = arith.constant 0 : i32
      %dma_start3A_311 = tpu.memref_slice %arg11[%add3A_309, %dma_start3A_310] : memref<512x32xf32, #tpu.memory_space<vmem>> -> memref<1x32xf32, #tpu.memory_space<vmem>>
      %dma_start3A_312 = arith.constant 0 : i32
      %dma_start3A_313 = tpu.memref_slice %arg6[%reduce_sum3A_305, %dma_start3A_312] : memref<1000000x32xf32, #tpu.memory_space<hbm>> -> memref<1x32xf32, #tpu.memory_space<hbm>>
      %dma_start3A_314 = arith.constant 0 : i32
      %dma_start3A_315 = tpu.memref_slice %arg11[%add3A_309, %dma_start3A_314] : memref<512x32xf32, #tpu.memory_space<vmem>> -> memref<1x32xf32, #tpu.memory_space<vmem>>
      %dma_start3A_316 = arith.constant 0 : i32
      %dma_start3A_317 = tpu.memref_slice %arg6[%reduce_sum3A_305, %dma_start3A_316] : memref<1000000x32xf32, #tpu.memory_space<hbm>> -> memref<1x32xf32, #tpu.memory_space<hbm>>
      tpu.enqueue_dma source(%dma_start3A_317 : memref<1x32xf32, #tpu.memory_space<hbm>>) target(%dma_start3A_315 : memref<1x32xf32, #tpu.memory_space<vmem>>) target_semaphore(%arg12 : memref<!tpu.dma_semaphore, #tpu.memory_space<semaphore_mem>>)
      %eq3A_318 = arith.constant 14 : i32
      %eq3A_319 = vector.broadcast %eq3A_318 : i32 to vector<16xi32>
      %eq3A_320 = arith.cmpi eq, %iota3A, %eq3A_319 : vector<16xi32>
      %select_n3A_321 = arith.select %eq3A_320, %get3A_41, %broadcast_in_dim3A_3 : vector<16xi1>, vector<16xi32>
      %reduce_sum3A_322 = arith.constant true
      %reduce_sum3A_323 = vector.broadcast %reduce_sum3A_322 : i1 to vector<16xi1>
      %reduce_sum3A_324 = tpu.scan <sum>, %select_n3A_321 masked %reduce_sum3A_323 : vector<16xi32>, vector<16xi1> -> vector<16xi32>
      %reduce_sum3A_325 = vector.extract %reduce_sum3A_324[15] : i32 from vector<16xi32>
      %mul3A_326 = arith.constant 16 : i32
      %mul3A_327 = arith.muli %scan3A_38, %mul3A_326 : i32
      %add3A_328 = arith.constant 14 : i32
      %add3A_329 = arith.addi %mul3A_327, %add3A_328 : i32
      %dma_start3A_330 = arith.constant 0 : i32
      %dma_start3A_331 = tpu.memref_slice %arg11[%add3A_329, %dma_start3A_330] : memref<512x32xf32, #tpu.memory_space<vmem>> -> memref<1x32xf32, #tpu.memory_space<vmem>>
      %dma_start3A_332 = arith.constant 0 : i32
      %dma_start3A_333 = tpu.memref_slice %arg6[%reduce_sum3A_325, %dma_start3A_332] : memref<1000000x32xf32, #tpu.memory_space<hbm>> -> memref<1x32xf32, #tpu.memory_space<hbm>>
      %dma_start3A_334 = arith.constant 0 : i32
      %dma_start3A_335 = tpu.memref_slice %arg11[%add3A_329, %dma_start3A_334] : memref<512x32xf32, #tpu.memory_space<vmem>> -> memref<1x32xf32, #tpu.memory_space<vmem>>
      %dma_start3A_336 = arith.constant 0 : i32
      %dma_start3A_337 = tpu.memref_slice %arg6[%reduce_sum3A_325, %dma_start3A_336] : memref<1000000x32xf32, #tpu.memory_space<hbm>> -> memref<1x32xf32, #tpu.memory_space<hbm>>
      tpu.enqueue_dma source(%dma_start3A_337 : memref<1x32xf32, #tpu.memory_space<hbm>>) target(%dma_start3A_335 : memref<1x32xf32, #tpu.memory_space<vmem>>) target_semaphore(%arg12 : memref<!tpu.dma_semaphore, #tpu.memory_space<semaphore_mem>>)
      %eq3A_338 = arith.constant 15 : i32
      %eq3A_339 = vector.broadcast %eq3A_338 : i32 to vector<16xi32>
      %eq3A_340 = arith.cmpi eq, %iota3A, %eq3A_339 : vector<16xi32>
      %select_n3A_341 = arith.select %eq3A_340, %get3A_41, %broadcast_in_dim3A_3 : vector<16xi1>, vector<16xi32>
      %reduce_sum3A_342 = arith.constant true
      %reduce_sum3A_343 = vector.broadcast %reduce_sum3A_342 : i1 to vector<16xi1>
      %reduce_sum3A_344 = tpu.scan <sum>, %select_n3A_341 masked %reduce_sum3A_343 : vector<16xi32>, vector<16xi1> -> vector<16xi32>
      %reduce_sum3A_345 = vector.extract %reduce_sum3A_344[15] : i32 from vector<16xi32>
      %mul3A_346 = arith.constant 16 : i32
      %mul3A_347 = arith.muli %scan3A_38, %mul3A_346 : i32
      %add3A_348 = arith.constant 15 : i32
      %add3A_349 = arith.addi %mul3A_347, %add3A_348 : i32
      %dma_start3A_350 = arith.constant 0 : i32
      %dma_start3A_351 = tpu.memref_slice %arg11[%add3A_349, %dma_start3A_350] : memref<512x32xf32, #tpu.memory_space<vmem>> -> memref<1x32xf32, #tpu.memory_space<vmem>>
      %dma_start3A_352 = arith.constant 0 : i32
      %dma_start3A_353 = tpu.memref_slice %arg6[%reduce_sum3A_345, %dma_start3A_352] : memref<1000000x32xf32, #tpu.memory_space<hbm>> -> memref<1x32xf32, #tpu.memory_space<hbm>>
      %dma_start3A_354 = arith.constant 0 : i32
      %dma_start3A_355 = tpu.memref_slice %arg11[%add3A_349, %dma_start3A_354] : memref<512x32xf32, #tpu.memory_space<vmem>> -> memref<1x32xf32, #tpu.memory_space<vmem>>
      %dma_start3A_356 = arith.constant 0 : i32
      %dma_start3A_357 = tpu.memref_slice %arg6[%reduce_sum3A_345, %dma_start3A_356] : memref<1000000x32xf32, #tpu.memory_space<hbm>> -> memref<1x32xf32, #tpu.memory_space<hbm>>
      tpu.enqueue_dma source(%dma_start3A_357 : memref<1x32xf32, #tpu.memory_space<hbm>>) target(%dma_start3A_355 : memref<1x32xf32, #tpu.memory_space<vmem>>) target_semaphore(%arg12 : memref<!tpu.dma_semaphore, #tpu.memory_space<semaphore_mem>>)
    }
    %scan3A_19 = arith.constant 32 : i32
    %dma_wait3A_20 = arith.constant 0 : i32
    %dma_wait3A_21 = arith.constant 0 : i32
    %dma_wait3A_22 = tpu.memref_slice %arg6[%dma_wait3A_20, %dma_wait3A_21] : memref<1000000x32xf32, #tpu.memory_space<hbm>> -> memref<512x32xf32, #tpu.memory_space<hbm>>
    %dma_wait3A_23 = arith.constant 0 : i32
    %dma_wait3A_24 = arith.constant 0 : i32
    %dma_wait3A_25 = tpu.memref_slice %arg6[%dma_wait3A_23, %dma_wait3A_24] : memref<1000000x32xf32, #tpu.memory_space<hbm>> -> memref<512x32xf32, #tpu.memory_space<hbm>>
    tpu.wait_dma2 semaphore(%arg12 : memref<!tpu.dma_semaphore, #tpu.memory_space<semaphore_mem>>) src(%dma_wait3A_25 : memref<512x32xf32, #tpu.memory_space<hbm>>) dst(%arg11 : memref<512x32xf32, #tpu.memory_space<vmem>>)
    "tpu.region"() ({
      %run_scoped3A = tpu.sem_alloc : memref<!tpu.dma_semaphore, #tpu.memory_space<semaphore_mem>>
      %dma_start3A = arith.constant 0 : i32
      %dma_start3A_38 = tpu.memref_slice %arg8[%mul3A_2, %dma_start3A] : memref<16384x32xf32, #tpu.memory_space<hbm>> -> memref<512x32xf32, #tpu.memory_space<hbm>>
      %dma_start3A_39 = arith.constant 0 : i32
      %dma_start3A_40 = tpu.memref_slice %arg8[%mul3A_2, %dma_start3A_39] : memref<16384x32xf32, #tpu.memory_space<hbm>> -> memref<512x32xf32, #tpu.memory_space<hbm>>
      tpu.enqueue_dma source(%arg11 : memref<512x32xf32, #tpu.memory_space<vmem>>) target(%dma_start3A_40 : memref<512x32xf32, #tpu.memory_space<hbm>>) target_semaphore(%run_scoped3A : memref<!tpu.dma_semaphore, #tpu.memory_space<semaphore_mem>>)
      %dma_wait3A_41 = arith.constant 0 : i32
      %dma_wait3A_42 = tpu.memref_slice %arg8[%mul3A_2, %dma_wait3A_41] : memref<16384x32xf32, #tpu.memory_space<hbm>> -> memref<512x32xf32, #tpu.memory_space<hbm>>
      %dma_wait3A_43 = arith.constant 0 : i32
      %dma_wait3A_44 = tpu.memref_slice %arg8[%mul3A_2, %dma_wait3A_43] : memref<16384x32xf32, #tpu.memory_space<hbm>> -> memref<512x32xf32, #tpu.memory_space<hbm>>
      tpu.wait_dma2 semaphore(%run_scoped3A : memref<!tpu.dma_semaphore, #tpu.memory_space<semaphore_mem>>) src(%arg11 : memref<512x32xf32, #tpu.memory_space<vmem>>) dst(%dma_wait3A_44 : memref<512x32xf32, #tpu.memory_space<hbm>>)
      tpu.yield
    }) : () -> ()
    "tpu.region"() ({
      %run_scoped3A = tpu.sem_alloc : memref<!tpu.dma_semaphore, #tpu.memory_space<semaphore_mem>>
      %dma_start3A = tpu.memref_slice %arg4[%mul3A_2] : memref<16384xi32, #tpu.memory_space<hbm>> -> memref<512xi32, #tpu.memory_space<hbm>>
      %dma_start3A_38 = tpu.memref_slice %arg4[%mul3A_2] : memref<16384xi32, #tpu.memory_space<hbm>> -> memref<512xi32, #tpu.memory_space<hbm>>
      tpu.enqueue_dma source(%dma_start3A_38 : memref<512xi32, #tpu.memory_space<hbm>>) target(%arg10 : memref<512xi32, #tpu.memory_space<vmem>>) target_semaphore(%run_scoped3A : memref<!tpu.dma_semaphore, #tpu.memory_space<semaphore_mem>>)
      %dma_wait3A_39 = tpu.memref_slice %arg4[%mul3A_2] : memref<16384xi32, #tpu.memory_space<hbm>> -> memref<512xi32, #tpu.memory_space<hbm>>
      %dma_wait3A_40 = tpu.memref_slice %arg4[%mul3A_2] : memref<16384xi32, #tpu.memory_space<hbm>> -> memref<512xi32, #tpu.memory_space<hbm>>
      tpu.wait_dma2 semaphore(%run_scoped3A : memref<!tpu.dma_semaphore, #tpu.memory_space<semaphore_mem>>) src(%dma_wait3A_40 : memref<512xi32, #tpu.memory_space<hbm>>) dst(%arg10 : memref<512xi32, #tpu.memory_space<vmem>>)
      tpu.yield
    }) : () -> ()
    %scan3A_26 = arith.constant 0 : i32
    %scan3A_27 = arith.constant 0 : i32
    %scan3A_28 = arith.constant 32 : i32
    %scan3A_29 = arith.addi %scan3A_27, %scan3A_28 : i32
    %scan3A_30 = arith.constant 1 : i32
    scf.for %scan3A_38 = %scan3A_27 to %scan3A_29 step %scan3A_30  : i32 {
      %mul3A_39 = arith.constant 16 : i32
      %mul3A_40 = arith.muli %scan3A_38, %mul3A_39 : i32
      %multiple_of3A = tpu.assume_multiple %mul3A_40, 16 : i32
      %get3A = arith.index_cast %multiple_of3A : i32 to index
      %get3A_41 = tpu.vector_load %arg10[%get3A] {strides = array<i32>} : memref<512xi32, #tpu.memory_space<vmem>>, vector<16xi32>,
      %eq3A = arith.constant 0 : i32
      %eq3A_42 = vector.broadcast %eq3A : i32 to vector<16xi32>
      %eq3A_43 = arith.cmpi eq, %iota3A, %eq3A_42 : vector<16xi32>
      %select_n3A = arith.select %eq3A_43, %get3A_41, %broadcast_in_dim3A_3 : vector<16xi1>, vector<16xi32>
      %reduce_sum3A = arith.constant true
      %reduce_sum3A_44 = vector.broadcast %reduce_sum3A : i1 to vector<16xi1>
      %reduce_sum3A_45 = tpu.scan <sum>, %select_n3A masked %reduce_sum3A_44 : vector<16xi32>, vector<16xi1> -> vector<16xi32>
      %reduce_sum3A_46 = vector.extract %reduce_sum3A_45[15] : i32 from vector<16xi32>
      %mul3A_47 = arith.constant 16 : i32
      %mul3A_48 = arith.muli %scan3A_38, %mul3A_47 : i32
      %add3A_49 = arith.constant 0 : i32
      %add3A_50 = arith.addi %mul3A_48, %add3A_49 : i32
      %dma_start3A = arith.constant 0 : i32
      %dma_start3A_51 = tpu.memref_slice %arg11[%add3A_50, %dma_start3A] : memref<512x32xf32, #tpu.memory_space<vmem>> -> memref<1x32xf32, #tpu.memory_space<vmem>>
      %dma_start3A_52 = arith.constant 0 : i32
      %dma_start3A_53 = tpu.memref_slice %arg6[%reduce_sum3A_46, %dma_start3A_52] : memref<1000000x32xf32, #tpu.memory_space<hbm>> -> memref<1x32xf32, #tpu.memory_space<hbm>>
      %dma_start3A_54 = arith.constant 0 : i32
      %dma_start3A_55 = tpu.memref_slice %arg11[%add3A_50, %dma_start3A_54] : memref<512x32xf32, #tpu.memory_space<vmem>> -> memref<1x32xf32, #tpu.memory_space<vmem>>
      %dma_start3A_56 = arith.constant 0 : i32
      %dma_start3A_57 = tpu.memref_slice %arg6[%reduce_sum3A_46, %dma_start3A_56] : memref<1000000x32xf32, #tpu.memory_space<hbm>> -> memref<1x32xf32, #tpu.memory_space<hbm>>
      tpu.enqueue_dma source(%dma_start3A_57 : memref<1x32xf32, #tpu.memory_space<hbm>>) target(%dma_start3A_55 : memref<1x32xf32, #tpu.memory_space<vmem>>) target_semaphore(%arg12 : memref<!tpu.dma_semaphore, #tpu.memory_space<semaphore_mem>>)
      %eq3A_58 = arith.constant 1 : i32
      %eq3A_59 = vector.broadcast %eq3A_58 : i32 to vector<16xi32>
      %eq3A_60 = arith.cmpi eq, %iota3A, %eq3A_59 : vector<16xi32>
      %select_n3A_61 = arith.select %eq3A_60, %get3A_41, %broadcast_in_dim3A_3 : vector<16xi1>, vector<16xi32>
      %reduce_sum3A_62 = arith.constant true
      %reduce_sum3A_63 = vector.broadcast %reduce_sum3A_62 : i1 to vector<16xi1>
      %reduce_sum3A_64 = tpu.scan <sum>, %select_n3A_61 masked %reduce_sum3A_63 : vector<16xi32>, vector<16xi1> -> vector<16xi32>
      %reduce_sum3A_65 = vector.extract %reduce_sum3A_64[15] : i32 from vector<16xi32>
      %mul3A_66 = arith.constant 16 : i32
      %mul3A_67 = arith.muli %scan3A_38, %mul3A_66 : i32
      %add3A_68 = arith.constant 1 : i32
      %add3A_69 = arith.addi %mul3A_67, %add3A_68 : i32
      %dma_start3A_70 = arith.constant 0 : i32
      %dma_start3A_71 = tpu.memref_slice %arg11[%add3A_69, %dma_start3A_70] : memref<512x32xf32, #tpu.memory_space<vmem>> -> memref<1x32xf32, #tpu.memory_space<vmem>>
      %dma_start3A_72 = arith.constant 0 : i32
      %dma_start3A_73 = tpu.memref_slice %arg6[%reduce_sum3A_65, %dma_start3A_72] : memref<1000000x32xf32, #tpu.memory_space<hbm>> -> memref<1x32xf32, #tpu.memory_space<hbm>>
      %dma_start3A_74 = arith.constant 0 : i32
      %dma_start3A_75 = tpu.memref_slice %arg11[%add3A_69, %dma_start3A_74] : memref<512x32xf32, #tpu.memory_space<vmem>> -> memref<1x32xf32, #tpu.memory_space<vmem>>
      %dma_start3A_76 = arith.constant 0 : i32
      %dma_start3A_77 = tpu.memref_slice %arg6[%reduce_sum3A_65, %dma_start3A_76] : memref<1000000x32xf32, #tpu.memory_space<hbm>> -> memref<1x32xf32, #tpu.memory_space<hbm>>
      tpu.enqueue_dma source(%dma_start3A_77 : memref<1x32xf32, #tpu.memory_space<hbm>>) target(%dma_start3A_75 : memref<1x32xf32, #tpu.memory_space<vmem>>) target_semaphore(%arg12 : memref<!tpu.dma_semaphore, #tpu.memory_space<semaphore_mem>>)
      %eq3A_78 = arith.constant 2 : i32
      %eq3A_79 = vector.broadcast %eq3A_78 : i32 to vector<16xi32>
      %eq3A_80 = arith.cmpi eq, %iota3A, %eq3A_79 : vector<16xi32>
      %select_n3A_81 = arith.select %eq3A_80, %get3A_41, %broadcast_in_dim3A_3 : vector<16xi1>, vector<16xi32>
      %reduce_sum3A_82 = arith.constant true
      %reduce_sum3A_83 = vector.broadcast %reduce_sum3A_82 : i1 to vector<16xi1>
      %reduce_sum3A_84 = tpu.scan <sum>, %select_n3A_81 masked %reduce_sum3A_83 : vector<16xi32>, vector<16xi1> -> vector<16xi32>
      %reduce_sum3A_85 = vector.extract %reduce_sum3A_84[15] : i32 from vector<16xi32>
      %mul3A_86 = arith.constant 16 : i32
      %mul3A_87 = arith.muli %scan3A_38, %mul3A_86 : i32
      %add3A_88 = arith.constant 2 : i32
      %add3A_89 = arith.addi %mul3A_87, %add3A_88 : i32
      %dma_start3A_90 = arith.constant 0 : i32
      %dma_start3A_91 = tpu.memref_slice %arg11[%add3A_89, %dma_start3A_90] : memref<512x32xf32, #tpu.memory_space<vmem>> -> memref<1x32xf32, #tpu.memory_space<vmem>>
      %dma_start3A_92 = arith.constant 0 : i32
      %dma_start3A_93 = tpu.memref_slice %arg6[%reduce_sum3A_85, %dma_start3A_92] : memref<1000000x32xf32, #tpu.memory_space<hbm>> -> memref<1x32xf32, #tpu.memory_space<hbm>>
      %dma_start3A_94 = arith.constant 0 : i32
      %dma_start3A_95 = tpu.memref_slice %arg11[%add3A_89, %dma_start3A_94] : memref<512x32xf32, #tpu.memory_space<vmem>> -> memref<1x32xf32, #tpu.memory_space<vmem>>
      %dma_start3A_96 = arith.constant 0 : i32
      %dma_start3A_97 = tpu.memref_slice %arg6[%reduce_sum3A_85, %dma_start3A_96] : memref<1000000x32xf32, #tpu.memory_space<hbm>> -> memref<1x32xf32, #tpu.memory_space<hbm>>
      tpu.enqueue_dma source(%dma_start3A_97 : memref<1x32xf32, #tpu.memory_space<hbm>>) target(%dma_start3A_95 : memref<1x32xf32, #tpu.memory_space<vmem>>) target_semaphore(%arg12 : memref<!tpu.dma_semaphore, #tpu.memory_space<semaphore_mem>>)
      %eq3A_98 = arith.constant 3 : i32
      %eq3A_99 = vector.broadcast %eq3A_98 : i32 to vector<16xi32>
      %eq3A_100 = arith.cmpi eq, %iota3A, %eq3A_99 : vector<16xi32>
      %select_n3A_101 = arith.select %eq3A_100, %get3A_41, %broadcast_in_dim3A_3 : vector<16xi1>, vector<16xi32>
      %reduce_sum3A_102 = arith.constant true
      %reduce_sum3A_103 = vector.broadcast %reduce_sum3A_102 : i1 to vector<16xi1>
      %reduce_sum3A_104 = tpu.scan <sum>, %select_n3A_101 masked %reduce_sum3A_103 : vector<16xi32>, vector<16xi1> -> vector<16xi32>
      %reduce_sum3A_105 = vector.extract %reduce_sum3A_104[15] : i32 from vector<16xi32>
      %mul3A_106 = arith.constant 16 : i32
      %mul3A_107 = arith.muli %scan3A_38, %mul3A_106 : i32
      %add3A_108 = arith.constant 3 : i32
      %add3A_109 = arith.addi %mul3A_107, %add3A_108 : i32
      %dma_start3A_110 = arith.constant 0 : i32
      %dma_start3A_111 = tpu.memref_slice %arg11[%add3A_109, %dma_start3A_110] : memref<512x32xf32, #tpu.memory_space<vmem>> -> memref<1x32xf32, #tpu.memory_space<vmem>>
      %dma_start3A_112 = arith.constant 0 : i32
      %dma_start3A_113 = tpu.memref_slice %arg6[%reduce_sum3A_105, %dma_start3A_112] : memref<1000000x32xf32, #tpu.memory_space<hbm>> -> memref<1x32xf32, #tpu.memory_space<hbm>>
      %dma_start3A_114 = arith.constant 0 : i32
      %dma_start3A_115 = tpu.memref_slice %arg11[%add3A_109, %dma_start3A_114] : memref<512x32xf32, #tpu.memory_space<vmem>> -> memref<1x32xf32, #tpu.memory_space<vmem>>
      %dma_start3A_116 = arith.constant 0 : i32
      %dma_start3A_117 = tpu.memref_slice %arg6[%reduce_sum3A_105, %dma_start3A_116] : memref<1000000x32xf32, #tpu.memory_space<hbm>> -> memref<1x32xf32, #tpu.memory_space<hbm>>
      tpu.enqueue_dma source(%dma_start3A_117 : memref<1x32xf32, #tpu.memory_space<hbm>>) target(%dma_start3A_115 : memref<1x32xf32, #tpu.memory_space<vmem>>) target_semaphore(%arg12 : memref<!tpu.dma_semaphore, #tpu.memory_space<semaphore_mem>>)
      %eq3A_118 = arith.constant 4 : i32
      %eq3A_119 = vector.broadcast %eq3A_118 : i32 to vector<16xi32>
      %eq3A_120 = arith.cmpi eq, %iota3A, %eq3A_119 : vector<16xi32>
      %select_n3A_121 = arith.select %eq3A_120, %get3A_41, %broadcast_in_dim3A_3 : vector<16xi1>, vector<16xi32>
      %reduce_sum3A_122 = arith.constant true
      %reduce_sum3A_123 = vector.broadcast %reduce_sum3A_122 : i1 to vector<16xi1>
      %reduce_sum3A_124 = tpu.scan <sum>, %select_n3A_121 masked %reduce_sum3A_123 : vector<16xi32>, vector<16xi1> -> vector<16xi32>
      %reduce_sum3A_125 = vector.extract %reduce_sum3A_124[15] : i32 from vector<16xi32>
      %mul3A_126 = arith.constant 16 : i32
      %mul3A_127 = arith.muli %scan3A_38, %mul3A_126 : i32
      %add3A_128 = arith.constant 4 : i32
      %add3A_129 = arith.addi %mul3A_127, %add3A_128 : i32
      %dma_start3A_130 = arith.constant 0 : i32
      %dma_start3A_131 = tpu.memref_slice %arg11[%add3A_129, %dma_start3A_130] : memref<512x32xf32, #tpu.memory_space<vmem>> -> memref<1x32xf32, #tpu.memory_space<vmem>>
      %dma_start3A_132 = arith.constant 0 : i32
      %dma_start3A_133 = tpu.memref_slice %arg6[%reduce_sum3A_125, %dma_start3A_132] : memref<1000000x32xf32, #tpu.memory_space<hbm>> -> memref<1x32xf32, #tpu.memory_space<hbm>>
      %dma_start3A_134 = arith.constant 0 : i32
      %dma_start3A_135 = tpu.memref_slice %arg11[%add3A_129, %dma_start3A_134] : memref<512x32xf32, #tpu.memory_space<vmem>> -> memref<1x32xf32, #tpu.memory_space<vmem>>
      %dma_start3A_136 = arith.constant 0 : i32
      %dma_start3A_137 = tpu.memref_slice %arg6[%reduce_sum3A_125, %dma_start3A_136] : memref<1000000x32xf32, #tpu.memory_space<hbm>> -> memref<1x32xf32, #tpu.memory_space<hbm>>
      tpu.enqueue_dma source(%dma_start3A_137 : memref<1x32xf32, #tpu.memory_space<hbm>>) target(%dma_start3A_135 : memref<1x32xf32, #tpu.memory_space<vmem>>) target_semaphore(%arg12 : memref<!tpu.dma_semaphore, #tpu.memory_space<semaphore_mem>>)
      %eq3A_138 = arith.constant 5 : i32
      %eq3A_139 = vector.broadcast %eq3A_138 : i32 to vector<16xi32>
      %eq3A_140 = arith.cmpi eq, %iota3A, %eq3A_139 : vector<16xi32>
      %select_n3A_141 = arith.select %eq3A_140, %get3A_41, %broadcast_in_dim3A_3 : vector<16xi1>, vector<16xi32>
      %reduce_sum3A_142 = arith.constant true
      %reduce_sum3A_143 = vector.broadcast %reduce_sum3A_142 : i1 to vector<16xi1>
      %reduce_sum3A_144 = tpu.scan <sum>, %select_n3A_141 masked %reduce_sum3A_143 : vector<16xi32>, vector<16xi1> -> vector<16xi32>
      %reduce_sum3A_145 = vector.extract %reduce_sum3A_144[15] : i32 from vector<16xi32>
      %mul3A_146 = arith.constant 16 : i32
      %mul3A_147 = arith.muli %scan3A_38, %mul3A_146 : i32
      %add3A_148 = arith.constant 5 : i32
      %add3A_149 = arith.addi %mul3A_147, %add3A_148 : i32
      %dma_start3A_150 = arith.constant 0 : i32
      %dma_start3A_151 = tpu.memref_slice %arg11[%add3A_149, %dma_start3A_150] : memref<512x32xf32, #tpu.memory_space<vmem>> -> memref<1x32xf32, #tpu.memory_space<vmem>>
      %dma_start3A_152 = arith.constant 0 : i32
      %dma_start3A_153 = tpu.memref_slice %arg6[%reduce_sum3A_145, %dma_start3A_152] : memref<1000000x32xf32, #tpu.memory_space<hbm>> -> memref<1x32xf32, #tpu.memory_space<hbm>>
      %dma_start3A_154 = arith.constant 0 : i32
      %dma_start3A_155 = tpu.memref_slice %arg11[%add3A_149, %dma_start3A_154] : memref<512x32xf32, #tpu.memory_space<vmem>> -> memref<1x32xf32, #tpu.memory_space<vmem>>
      %dma_start3A_156 = arith.constant 0 : i32
      %dma_start3A_157 = tpu.memref_slice %arg6[%reduce_sum3A_145, %dma_start3A_156] : memref<1000000x32xf32, #tpu.memory_space<hbm>> -> memref<1x32xf32, #tpu.memory_space<hbm>>
      tpu.enqueue_dma source(%dma_start3A_157 : memref<1x32xf32, #tpu.memory_space<hbm>>) target(%dma_start3A_155 : memref<1x32xf32, #tpu.memory_space<vmem>>) target_semaphore(%arg12 : memref<!tpu.dma_semaphore, #tpu.memory_space<semaphore_mem>>)
      %eq3A_158 = arith.constant 6 : i32
      %eq3A_159 = vector.broadcast %eq3A_158 : i32 to vector<16xi32>
      %eq3A_160 = arith.cmpi eq, %iota3A, %eq3A_159 : vector<16xi32>
      %select_n3A_161 = arith.select %eq3A_160, %get3A_41, %broadcast_in_dim3A_3 : vector<16xi1>, vector<16xi32>
      %reduce_sum3A_162 = arith.constant true
      %reduce_sum3A_163 = vector.broadcast %reduce_sum3A_162 : i1 to vector<16xi1>
      %reduce_sum3A_164 = tpu.scan <sum>, %select_n3A_161 masked %reduce_sum3A_163 : vector<16xi32>, vector<16xi1> -> vector<16xi32>
      %reduce_sum3A_165 = vector.extract %reduce_sum3A_164[15] : i32 from vector<16xi32>
      %mul3A_166 = arith.constant 16 : i32
      %mul3A_167 = arith.muli %scan3A_38, %mul3A_166 : i32
      %add3A_168 = arith.constant 6 : i32
      %add3A_169 = arith.addi %mul3A_167, %add3A_168 : i32
      %dma_start3A_170 = arith.constant 0 : i32
      %dma_start3A_171 = tpu.memref_slice %arg11[%add3A_169, %dma_start3A_170] : memref<512x32xf32, #tpu.memory_space<vmem>> -> memref<1x32xf32, #tpu.memory_space<vmem>>
      %dma_start3A_172 = arith.constant 0 : i32
      %dma_start3A_173 = tpu.memref_slice %arg6[%reduce_sum3A_165, %dma_start3A_172] : memref<1000000x32xf32, #tpu.memory_space<hbm>> -> memref<1x32xf32, #tpu.memory_space<hbm>>
      %dma_start3A_174 = arith.constant 0 : i32
      %dma_start3A_175 = tpu.memref_slice %arg11[%add3A_169, %dma_start3A_174] : memref<512x32xf32, #tpu.memory_space<vmem>> -> memref<1x32xf32, #tpu.memory_space<vmem>>
      %dma_start3A_176 = arith.constant 0 : i32
      %dma_start3A_177 = tpu.memref_slice %arg6[%reduce_sum3A_165, %dma_start3A_176] : memref<1000000x32xf32, #tpu.memory_space<hbm>> -> memref<1x32xf32, #tpu.memory_space<hbm>>
      tpu.enqueue_dma source(%dma_start3A_177 : memref<1x32xf32, #tpu.memory_space<hbm>>) target(%dma_start3A_175 : memref<1x32xf32, #tpu.memory_space<vmem>>) target_semaphore(%arg12 : memref<!tpu.dma_semaphore, #tpu.memory_space<semaphore_mem>>)
      %eq3A_178 = arith.constant 7 : i32
      %eq3A_179 = vector.broadcast %eq3A_178 : i32 to vector<16xi32>
      %eq3A_180 = arith.cmpi eq, %iota3A, %eq3A_179 : vector<16xi32>
      %select_n3A_181 = arith.select %eq3A_180, %get3A_41, %broadcast_in_dim3A_3 : vector<16xi1>, vector<16xi32>
      %reduce_sum3A_182 = arith.constant true
      %reduce_sum3A_183 = vector.broadcast %reduce_sum3A_182 : i1 to vector<16xi1>
      %reduce_sum3A_184 = tpu.scan <sum>, %select_n3A_181 masked %reduce_sum3A_183 : vector<16xi32>, vector<16xi1> -> vector<16xi32>
      %reduce_sum3A_185 = vector.extract %reduce_sum3A_184[15] : i32 from vector<16xi32>
      %mul3A_186 = arith.constant 16 : i32
      %mul3A_187 = arith.muli %scan3A_38, %mul3A_186 : i32
      %add3A_188 = arith.constant 7 : i32
      %add3A_189 = arith.addi %mul3A_187, %add3A_188 : i32
      %dma_start3A_190 = arith.constant 0 : i32
      %dma_start3A_191 = tpu.memref_slice %arg11[%add3A_189, %dma_start3A_190] : memref<512x32xf32, #tpu.memory_space<vmem>> -> memref<1x32xf32, #tpu.memory_space<vmem>>
      %dma_start3A_192 = arith.constant 0 : i32
      %dma_start3A_193 = tpu.memref_slice %arg6[%reduce_sum3A_185, %dma_start3A_192] : memref<1000000x32xf32, #tpu.memory_space<hbm>> -> memref<1x32xf32, #tpu.memory_space<hbm>>
      %dma_start3A_194 = arith.constant 0 : i32
      %dma_start3A_195 = tpu.memref_slice %arg11[%add3A_189, %dma_start3A_194] : memref<512x32xf32, #tpu.memory_space<vmem>> -> memref<1x32xf32, #tpu.memory_space<vmem>>
      %dma_start3A_196 = arith.constant 0 : i32
      %dma_start3A_197 = tpu.memref_slice %arg6[%reduce_sum3A_185, %dma_start3A_196] : memref<1000000x32xf32, #tpu.memory_space<hbm>> -> memref<1x32xf32, #tpu.memory_space<hbm>>
      tpu.enqueue_dma source(%dma_start3A_197 : memref<1x32xf32, #tpu.memory_space<hbm>>) target(%dma_start3A_195 : memref<1x32xf32, #tpu.memory_space<vmem>>) target_semaphore(%arg12 : memref<!tpu.dma_semaphore, #tpu.memory_space<semaphore_mem>>)
      %eq3A_198 = arith.constant 8 : i32
      %eq3A_199 = vector.broadcast %eq3A_198 : i32 to vector<16xi32>
      %eq3A_200 = arith.cmpi eq, %iota3A, %eq3A_199 : vector<16xi32>
      %select_n3A_201 = arith.select %eq3A_200, %get3A_41, %broadcast_in_dim3A_3 : vector<16xi1>, vector<16xi32>
      %reduce_sum3A_202 = arith.constant true
      %reduce_sum3A_203 = vector.broadcast %reduce_sum3A_202 : i1 to vector<16xi1>
      %reduce_sum3A_204 = tpu.scan <sum>, %select_n3A_201 masked %reduce_sum3A_203 : vector<16xi32>, vector<16xi1> -> vector<16xi32>
      %reduce_sum3A_205 = vector.extract %reduce_sum3A_204[15] : i32 from vector<16xi32>
      %mul3A_206 = arith.constant 16 : i32
      %mul3A_207 = arith.muli %scan3A_38, %mul3A_206 : i32
      %add3A_208 = arith.constant 8 : i32
      %add3A_209 = arith.addi %mul3A_207, %add3A_208 : i32
      %dma_start3A_210 = arith.constant 0 : i32
      %dma_start3A_211 = tpu.memref_slice %arg11[%add3A_209, %dma_start3A_210] : memref<512x32xf32, #tpu.memory_space<vmem>> -> memref<1x32xf32, #tpu.memory_space<vmem>>
      %dma_start3A_212 = arith.constant 0 : i32
      %dma_start3A_213 = tpu.memref_slice %arg6[%reduce_sum3A_205, %dma_start3A_212] : memref<1000000x32xf32, #tpu.memory_space<hbm>> -> memref<1x32xf32, #tpu.memory_space<hbm>>
      %dma_start3A_214 = arith.constant 0 : i32
      %dma_start3A_215 = tpu.memref_slice %arg11[%add3A_209, %dma_start3A_214] : memref<512x32xf32, #tpu.memory_space<vmem>> -> memref<1x32xf32, #tpu.memory_space<vmem>>
      %dma_start3A_216 = arith.constant 0 : i32
      %dma_start3A_217 = tpu.memref_slice %arg6[%reduce_sum3A_205, %dma_start3A_216] : memref<1000000x32xf32, #tpu.memory_space<hbm>> -> memref<1x32xf32, #tpu.memory_space<hbm>>
      tpu.enqueue_dma source(%dma_start3A_217 : memref<1x32xf32, #tpu.memory_space<hbm>>) target(%dma_start3A_215 : memref<1x32xf32, #tpu.memory_space<vmem>>) target_semaphore(%arg12 : memref<!tpu.dma_semaphore, #tpu.memory_space<semaphore_mem>>)
      %eq3A_218 = arith.constant 9 : i32
      %eq3A_219 = vector.broadcast %eq3A_218 : i32 to vector<16xi32>
      %eq3A_220 = arith.cmpi eq, %iota3A, %eq3A_219 : vector<16xi32>
      %select_n3A_221 = arith.select %eq3A_220, %get3A_41, %broadcast_in_dim3A_3 : vector<16xi1>, vector<16xi32>
      %reduce_sum3A_222 = arith.constant true
      %reduce_sum3A_223 = vector.broadcast %reduce_sum3A_222 : i1 to vector<16xi1>
      %reduce_sum3A_224 = tpu.scan <sum>, %select_n3A_221 masked %reduce_sum3A_223 : vector<16xi32>, vector<16xi1> -> vector<16xi32>
      %reduce_sum3A_225 = vector.extract %reduce_sum3A_224[15] : i32 from vector<16xi32>
      %mul3A_226 = arith.constant 16 : i32
      %mul3A_227 = arith.muli %scan3A_38, %mul3A_226 : i32
      %add3A_228 = arith.constant 9 : i32
      %add3A_229 = arith.addi %mul3A_227, %add3A_228 : i32
      %dma_start3A_230 = arith.constant 0 : i32
      %dma_start3A_231 = tpu.memref_slice %arg11[%add3A_229, %dma_start3A_230] : memref<512x32xf32, #tpu.memory_space<vmem>> -> memref<1x32xf32, #tpu.memory_space<vmem>>
      %dma_start3A_232 = arith.constant 0 : i32
      %dma_start3A_233 = tpu.memref_slice %arg6[%reduce_sum3A_225, %dma_start3A_232] : memref<1000000x32xf32, #tpu.memory_space<hbm>> -> memref<1x32xf32, #tpu.memory_space<hbm>>
      %dma_start3A_234 = arith.constant 0 : i32
      %dma_start3A_235 = tpu.memref_slice %arg11[%add3A_229, %dma_start3A_234] : memref<512x32xf32, #tpu.memory_space<vmem>> -> memref<1x32xf32, #tpu.memory_space<vmem>>
      %dma_start3A_236 = arith.constant 0 : i32
      %dma_start3A_237 = tpu.memref_slice %arg6[%reduce_sum3A_225, %dma_start3A_236] : memref<1000000x32xf32, #tpu.memory_space<hbm>> -> memref<1x32xf32, #tpu.memory_space<hbm>>
      tpu.enqueue_dma source(%dma_start3A_237 : memref<1x32xf32, #tpu.memory_space<hbm>>) target(%dma_start3A_235 : memref<1x32xf32, #tpu.memory_space<vmem>>) target_semaphore(%arg12 : memref<!tpu.dma_semaphore, #tpu.memory_space<semaphore_mem>>)
      %eq3A_238 = arith.constant 10 : i32
      %eq3A_239 = vector.broadcast %eq3A_238 : i32 to vector<16xi32>
      %eq3A_240 = arith.cmpi eq, %iota3A, %eq3A_239 : vector<16xi32>
      %select_n3A_241 = arith.select %eq3A_240, %get3A_41, %broadcast_in_dim3A_3 : vector<16xi1>, vector<16xi32>
      %reduce_sum3A_242 = arith.constant true
      %reduce_sum3A_243 = vector.broadcast %reduce_sum3A_242 : i1 to vector<16xi1>
      %reduce_sum3A_244 = tpu.scan <sum>, %select_n3A_241 masked %reduce_sum3A_243 : vector<16xi32>, vector<16xi1> -> vector<16xi32>
      %reduce_sum3A_245 = vector.extract %reduce_sum3A_244[15] : i32 from vector<16xi32>
      %mul3A_246 = arith.constant 16 : i32
      %mul3A_247 = arith.muli %scan3A_38, %mul3A_246 : i32
      %add3A_248 = arith.constant 10 : i32
      %add3A_249 = arith.addi %mul3A_247, %add3A_248 : i32
      %dma_start3A_250 = arith.constant 0 : i32
      %dma_start3A_251 = tpu.memref_slice %arg11[%add3A_249, %dma_start3A_250] : memref<512x32xf32, #tpu.memory_space<vmem>> -> memref<1x32xf32, #tpu.memory_space<vmem>>
      %dma_start3A_252 = arith.constant 0 : i32
      %dma_start3A_253 = tpu.memref_slice %arg6[%reduce_sum3A_245, %dma_start3A_252] : memref<1000000x32xf32, #tpu.memory_space<hbm>> -> memref<1x32xf32, #tpu.memory_space<hbm>>
      %dma_start3A_254 = arith.constant 0 : i32
      %dma_start3A_255 = tpu.memref_slice %arg11[%add3A_249, %dma_start3A_254] : memref<512x32xf32, #tpu.memory_space<vmem>> -> memref<1x32xf32, #tpu.memory_space<vmem>>
      %dma_start3A_256 = arith.constant 0 : i32
      %dma_start3A_257 = tpu.memref_slice %arg6[%reduce_sum3A_245, %dma_start3A_256] : memref<1000000x32xf32, #tpu.memory_space<hbm>> -> memref<1x32xf32, #tpu.memory_space<hbm>>
      tpu.enqueue_dma source(%dma_start3A_257 : memref<1x32xf32, #tpu.memory_space<hbm>>) target(%dma_start3A_255 : memref<1x32xf32, #tpu.memory_space<vmem>>) target_semaphore(%arg12 : memref<!tpu.dma_semaphore, #tpu.memory_space<semaphore_mem>>)
      %eq3A_258 = arith.constant 11 : i32
      %eq3A_259 = vector.broadcast %eq3A_258 : i32 to vector<16xi32>
      %eq3A_260 = arith.cmpi eq, %iota3A, %eq3A_259 : vector<16xi32>
      %select_n3A_261 = arith.select %eq3A_260, %get3A_41, %broadcast_in_dim3A_3 : vector<16xi1>, vector<16xi32>
      %reduce_sum3A_262 = arith.constant true
      %reduce_sum3A_263 = vector.broadcast %reduce_sum3A_262 : i1 to vector<16xi1>
      %reduce_sum3A_264 = tpu.scan <sum>, %select_n3A_261 masked %reduce_sum3A_263 : vector<16xi32>, vector<16xi1> -> vector<16xi32>
      %reduce_sum3A_265 = vector.extract %reduce_sum3A_264[15] : i32 from vector<16xi32>
      %mul3A_266 = arith.constant 16 : i32
      %mul3A_267 = arith.muli %scan3A_38, %mul3A_266 : i32
      %add3A_268 = arith.constant 11 : i32
      %add3A_269 = arith.addi %mul3A_267, %add3A_268 : i32
      %dma_start3A_270 = arith.constant 0 : i32
      %dma_start3A_271 = tpu.memref_slice %arg11[%add3A_269, %dma_start3A_270] : memref<512x32xf32, #tpu.memory_space<vmem>> -> memref<1x32xf32, #tpu.memory_space<vmem>>
      %dma_start3A_272 = arith.constant 0 : i32
      %dma_start3A_273 = tpu.memref_slice %arg6[%reduce_sum3A_265, %dma_start3A_272] : memref<1000000x32xf32, #tpu.memory_space<hbm>> -> memref<1x32xf32, #tpu.memory_space<hbm>>
      %dma_start3A_274 = arith.constant 0 : i32
      %dma_start3A_275 = tpu.memref_slice %arg11[%add3A_269, %dma_start3A_274] : memref<512x32xf32, #tpu.memory_space<vmem>> -> memref<1x32xf32, #tpu.memory_space<vmem>>
      %dma_start3A_276 = arith.constant 0 : i32
      %dma_start3A_277 = tpu.memref_slice %arg6[%reduce_sum3A_265, %dma_start3A_276] : memref<1000000x32xf32, #tpu.memory_space<hbm>> -> memref<1x32xf32, #tpu.memory_space<hbm>>
      tpu.enqueue_dma source(%dma_start3A_277 : memref<1x32xf32, #tpu.memory_space<hbm>>) target(%dma_start3A_275 : memref<1x32xf32, #tpu.memory_space<vmem>>) target_semaphore(%arg12 : memref<!tpu.dma_semaphore, #tpu.memory_space<semaphore_mem>>)
      %eq3A_278 = arith.constant 12 : i32
      %eq3A_279 = vector.broadcast %eq3A_278 : i32 to vector<16xi32>
      %eq3A_280 = arith.cmpi eq, %iota3A, %eq3A_279 : vector<16xi32>
      %select_n3A_281 = arith.select %eq3A_280, %get3A_41, %broadcast_in_dim3A_3 : vector<16xi1>, vector<16xi32>
      %reduce_sum3A_282 = arith.constant true
      %reduce_sum3A_283 = vector.broadcast %reduce_sum3A_282 : i1 to vector<16xi1>
      %reduce_sum3A_284 = tpu.scan <sum>, %select_n3A_281 masked %reduce_sum3A_283 : vector<16xi32>, vector<16xi1> -> vector<16xi32>
      %reduce_sum3A_285 = vector.extract %reduce_sum3A_284[15] : i32 from vector<16xi32>
      %mul3A_286 = arith.constant 16 : i32
      %mul3A_287 = arith.muli %scan3A_38, %mul3A_286 : i32
      %add3A_288 = arith.constant 12 : i32
      %add3A_289 = arith.addi %mul3A_287, %add3A_288 : i32
      %dma_start3A_290 = arith.constant 0 : i32
      %dma_start3A_291 = tpu.memref_slice %arg11[%add3A_289, %dma_start3A_290] : memref<512x32xf32, #tpu.memory_space<vmem>> -> memref<1x32xf32, #tpu.memory_space<vmem>>
      %dma_start3A_292 = arith.constant 0 : i32
      %dma_start3A_293 = tpu.memref_slice %arg6[%reduce_sum3A_285, %dma_start3A_292] : memref<1000000x32xf32, #tpu.memory_space<hbm>> -> memref<1x32xf32, #tpu.memory_space<hbm>>
      %dma_start3A_294 = arith.constant 0 : i32
      %dma_start3A_295 = tpu.memref_slice %arg11[%add3A_289, %dma_start3A_294] : memref<512x32xf32, #tpu.memory_space<vmem>> -> memref<1x32xf32, #tpu.memory_space<vmem>>
      %dma_start3A_296 = arith.constant 0 : i32
      %dma_start3A_297 = tpu.memref_slice %arg6[%reduce_sum3A_285, %dma_start3A_296] : memref<1000000x32xf32, #tpu.memory_space<hbm>> -> memref<1x32xf32, #tpu.memory_space<hbm>>
      tpu.enqueue_dma source(%dma_start3A_297 : memref<1x32xf32, #tpu.memory_space<hbm>>) target(%dma_start3A_295 : memref<1x32xf32, #tpu.memory_space<vmem>>) target_semaphore(%arg12 : memref<!tpu.dma_semaphore, #tpu.memory_space<semaphore_mem>>)
      %eq3A_298 = arith.constant 13 : i32
      %eq3A_299 = vector.broadcast %eq3A_298 : i32 to vector<16xi32>
      %eq3A_300 = arith.cmpi eq, %iota3A, %eq3A_299 : vector<16xi32>
      %select_n3A_301 = arith.select %eq3A_300, %get3A_41, %broadcast_in_dim3A_3 : vector<16xi1>, vector<16xi32>
      %reduce_sum3A_302 = arith.constant true
      %reduce_sum3A_303 = vector.broadcast %reduce_sum3A_302 : i1 to vector<16xi1>
      %reduce_sum3A_304 = tpu.scan <sum>, %select_n3A_301 masked %reduce_sum3A_303 : vector<16xi32>, vector<16xi1> -> vector<16xi32>
      %reduce_sum3A_305 = vector.extract %reduce_sum3A_304[15] : i32 from vector<16xi32>
      %mul3A_306 = arith.constant 16 : i32
      %mul3A_307 = arith.muli %scan3A_38, %mul3A_306 : i32
      %add3A_308 = arith.constant 13 : i32
      %add3A_309 = arith.addi %mul3A_307, %add3A_308 : i32
      %dma_start3A_310 = arith.constant 0 : i32
      %dma_start3A_311 = tpu.memref_slice %arg11[%add3A_309, %dma_start3A_310] : memref<512x32xf32, #tpu.memory_space<vmem>> -> memref<1x32xf32, #tpu.memory_space<vmem>>
      %dma_start3A_312 = arith.constant 0 : i32
      %dma_start3A_313 = tpu.memref_slice %arg6[%reduce_sum3A_305, %dma_start3A_312] : memref<1000000x32xf32, #tpu.memory_space<hbm>> -> memref<1x32xf32, #tpu.memory_space<hbm>>
      %dma_start3A_314 = arith.constant 0 : i32
      %dma_start3A_315 = tpu.memref_slice %arg11[%add3A_309, %dma_start3A_314] : memref<512x32xf32, #tpu.memory_space<vmem>> -> memref<1x32xf32, #tpu.memory_space<vmem>>
      %dma_start3A_316 = arith.constant 0 : i32
      %dma_start3A_317 = tpu.memref_slice %arg6[%reduce_sum3A_305, %dma_start3A_316] : memref<1000000x32xf32, #tpu.memory_space<hbm>> -> memref<1x32xf32, #tpu.memory_space<hbm>>
      tpu.enqueue_dma source(%dma_start3A_317 : memref<1x32xf32, #tpu.memory_space<hbm>>) target(%dma_start3A_315 : memref<1x32xf32, #tpu.memory_space<vmem>>) target_semaphore(%arg12 : memref<!tpu.dma_semaphore, #tpu.memory_space<semaphore_mem>>)
      %eq3A_318 = arith.constant 14 : i32
      %eq3A_319 = vector.broadcast %eq3A_318 : i32 to vector<16xi32>
      %eq3A_320 = arith.cmpi eq, %iota3A, %eq3A_319 : vector<16xi32>
      %select_n3A_321 = arith.select %eq3A_320, %get3A_41, %broadcast_in_dim3A_3 : vector<16xi1>, vector<16xi32>
      %reduce_sum3A_322 = arith.constant true
      %reduce_sum3A_323 = vector.broadcast %reduce_sum3A_322 : i1 to vector<16xi1>
      %reduce_sum3A_324 = tpu.scan <sum>, %select_n3A_321 masked %reduce_sum3A_323 : vector<16xi32>, vector<16xi1> -> vector<16xi32>
      %reduce_sum3A_325 = vector.extract %reduce_sum3A_324[15] : i32 from vector<16xi32>
      %mul3A_326 = arith.constant 16 : i32
      %mul3A_327 = arith.muli %scan3A_38, %mul3A_326 : i32
      %add3A_328 = arith.constant 14 : i32
      %add3A_329 = arith.addi %mul3A_327, %add3A_328 : i32
      %dma_start3A_330 = arith.constant 0 : i32
      %dma_start3A_331 = tpu.memref_slice %arg11[%add3A_329, %dma_start3A_330] : memref<512x32xf32, #tpu.memory_space<vmem>> -> memref<1x32xf32, #tpu.memory_space<vmem>>
      %dma_start3A_332 = arith.constant 0 : i32
      %dma_start3A_333 = tpu.memref_slice %arg6[%reduce_sum3A_325, %dma_start3A_332] : memref<1000000x32xf32, #tpu.memory_space<hbm>> -> memref<1x32xf32, #tpu.memory_space<hbm>>
      %dma_start3A_334 = arith.constant 0 : i32
      %dma_start3A_335 = tpu.memref_slice %arg11[%add3A_329, %dma_start3A_334] : memref<512x32xf32, #tpu.memory_space<vmem>> -> memref<1x32xf32, #tpu.memory_space<vmem>>
      %dma_start3A_336 = arith.constant 0 : i32
      %dma_start3A_337 = tpu.memref_slice %arg6[%reduce_sum3A_325, %dma_start3A_336] : memref<1000000x32xf32, #tpu.memory_space<hbm>> -> memref<1x32xf32, #tpu.memory_space<hbm>>
      tpu.enqueue_dma source(%dma_start3A_337 : memref<1x32xf32, #tpu.memory_space<hbm>>) target(%dma_start3A_335 : memref<1x32xf32, #tpu.memory_space<vmem>>) target_semaphore(%arg12 : memref<!tpu.dma_semaphore, #tpu.memory_space<semaphore_mem>>)
      %eq3A_338 = arith.constant 15 : i32
      %eq3A_339 = vector.broadcast %eq3A_338 : i32 to vector<16xi32>
      %eq3A_340 = arith.cmpi eq, %iota3A, %eq3A_339 : vector<16xi32>
      %select_n3A_341 = arith.select %eq3A_340, %get3A_41, %broadcast_in_dim3A_3 : vector<16xi1>, vector<16xi32>
      %reduce_sum3A_342 = arith.constant true
      %reduce_sum3A_343 = vector.broadcast %reduce_sum3A_342 : i1 to vector<16xi1>
      %reduce_sum3A_344 = tpu.scan <sum>, %select_n3A_341 masked %reduce_sum3A_343 : vector<16xi32>, vector<16xi1> -> vector<16xi32>
      %reduce_sum3A_345 = vector.extract %reduce_sum3A_344[15] : i32 from vector<16xi32>
      %mul3A_346 = arith.constant 16 : i32
      %mul3A_347 = arith.muli %scan3A_38, %mul3A_346 : i32
      %add3A_348 = arith.constant 15 : i32
      %add3A_349 = arith.addi %mul3A_347, %add3A_348 : i32
      %dma_start3A_350 = arith.constant 0 : i32
      %dma_start3A_351 = tpu.memref_slice %arg11[%add3A_349, %dma_start3A_350] : memref<512x32xf32, #tpu.memory_space<vmem>> -> memref<1x32xf32, #tpu.memory_space<vmem>>
      %dma_start3A_352 = arith.constant 0 : i32
      %dma_start3A_353 = tpu.memref_slice %arg6[%reduce_sum3A_345, %dma_start3A_352] : memref<1000000x32xf32, #tpu.memory_space<hbm>> -> memref<1x32xf32, #tpu.memory_space<hbm>>
      %dma_start3A_354 = arith.constant 0 : i32
      %dma_start3A_355 = tpu.memref_slice %arg11[%add3A_349, %dma_start3A_354] : memref<512x32xf32, #tpu.memory_space<vmem>> -> memref<1x32xf32, #tpu.memory_space<vmem>>
      %dma_start3A_356 = arith.constant 0 : i32
      %dma_start3A_357 = tpu.memref_slice %arg6[%reduce_sum3A_345, %dma_start3A_356] : memref<1000000x32xf32, #tpu.memory_space<hbm>> -> memref<1x32xf32, #tpu.memory_space<hbm>>
      tpu.enqueue_dma source(%dma_start3A_357 : memref<1x32xf32, #tpu.memory_space<hbm>>) target(%dma_start3A_355 : memref<1x32xf32, #tpu.memory_space<vmem>>) target_semaphore(%arg12 : memref<!tpu.dma_semaphore, #tpu.memory_space<semaphore_mem>>)
    }
    %scan3A_31 = arith.constant 32 : i32
    %dma_wait3A_32 = arith.constant 0 : i32
    %dma_wait3A_33 = arith.constant 0 : i32
    %dma_wait3A_34 = tpu.memref_slice %arg6[%dma_wait3A_32, %dma_wait3A_33] : memref<1000000x32xf32, #tpu.memory_space<hbm>> -> memref<512x32xf32, #tpu.memory_space<hbm>>
    %dma_wait3A_35 = arith.constant 0 : i32
    %dma_wait3A_36 = arith.constant 0 : i32
    %dma_wait3A_37 = tpu.memref_slice %arg6[%dma_wait3A_35, %dma_wait3A_36] : memref<1000000x32xf32, #tpu.memory_space<hbm>> -> memref<512x32xf32, #tpu.memory_space<hbm>>
    tpu.wait_dma2 semaphore(%arg12 : memref<!tpu.dma_semaphore, #tpu.memory_space<semaphore_mem>>) src(%dma_wait3A_37 : memref<512x32xf32, #tpu.memory_space<hbm>>) dst(%arg11 : memref<512x32xf32, #tpu.memory_space<vmem>>)
    "tpu.region"() ({
      %run_scoped3A = tpu.sem_alloc : memref<!tpu.dma_semaphore, #tpu.memory_space<semaphore_mem>>
      %dma_start3A = arith.constant 0 : i32
      %dma_start3A_38 = tpu.memref_slice %arg9[%mul3A_2, %dma_start3A] : memref<16384x32xf32, #tpu.memory_space<hbm>> -> memref<512x32xf32, #tpu.memory_space<hbm>>
      %dma_start3A_39 = arith.constant 0 : i32
      %dma_start3A_40 = tpu.memref_slice %arg9[%mul3A_2, %dma_start3A_39] : memref<16384x32xf32, #tpu.memory_space<hbm>> -> memref<512x32xf32, #tpu.memory_space<hbm>>
      tpu.enqueue_dma source(%arg11 : memref<512x32xf32, #tpu.memory_space<vmem>>) target(%dma_start3A_40 : memref<512x32xf32, #tpu.memory_space<hbm>>) target_semaphore(%run_scoped3A : memref<!tpu.dma_semaphore, #tpu.memory_space<semaphore_mem>>)
      %dma_wait3A_41 = arith.constant 0 : i32
      %dma_wait3A_42 = tpu.memref_slice %arg9[%mul3A_2, %dma_wait3A_41] : memref<16384x32xf32, #tpu.memory_space<hbm>> -> memref<512x32xf32, #tpu.memory_space<hbm>>
      %dma_wait3A_43 = arith.constant 0 : i32
      %dma_wait3A_44 = tpu.memref_slice %arg9[%mul3A_2, %dma_wait3A_43] : memref<16384x32xf32, #tpu.memory_space<hbm>> -> memref<512x32xf32, #tpu.memory_space<hbm>>
      tpu.wait_dma2 semaphore(%run_scoped3A : memref<!tpu.dma_semaphore, #tpu.memory_space<semaphore_mem>>) src(%arg11 : memref<512x32xf32, #tpu.memory_space<vmem>>) dst(%dma_wait3A_44 : memref<512x32xf32, #tpu.memory_space<hbm>>)
      tpu.yield
    }) : () -> ()
    return
  }
}

</mosaic_0001>

<sc_bundles>
// kernel: kernel.3.cloned.1.call-start
scs
__scs_entry_jumppad:
0x0: {  	(pc) =	sbr.rel $0x88, $3  }
0x1: {  	(tag) =	ssettag $0x0;
	lr =	simm.s32 $0x1  }
0x2: {  	[smem:$0x3F9C] =	sst lr;
	_ =	strace $0xD0000000  }
0x3: {  	_ = 	snop  }
0x4: {  	_ = 	snop  }
0x5: {  	_ = 	snop  }
0x6: {  	_ = 	snop  }
0x7: {  	_ = 	snop  }
__scs_overlays_trampoline_lowered:
0x8: {  	[smem:$0x3FAB] =	sst s0  }
0x9: {  	[smem:$0x3FAC] =	sst s1  }
0xa: {  	[smem:$0x3FAD] =	sst s2  }
0xb: {  	[smem:$0x3FAE] =	sst s3  }
0xc: {  	[smem:$0x3FAF] =	sst s4  }
0xd: {  	[smem:$0x3FB0] =	sst s5  }
0xe: {  	[smem:$0x3FB1] =	sst s6  }
0xf: {  	[smem:$0x3FB2] =	sst s7  }
0x10: {  	[smem:$0x3FB3] =	sst s8  }
0x11: {  	[smem:$0x3FB4] =	sst s9;
	s0 =	simm.s32 @!p0 $0x0  }
0x12: {  	s1 =	sld [smem:$0x3F9A];
	s0 =	simm.s32 @p0 $0x1  }
0x13: {  	[smem:$0x3FB5] =	sst s0;
	s0 =	simm.s32 @!p1 $0x0  }
0x14: {  	s2 =	sld [smem:$0x3F99];
	s0 =	simm.s32 @p1 $0x1  }
0x15: {  	[smem:$0x3FB6] =	sst s0;
	s0 =	simm.s32 @!p2 $0x0  }
0x16: {  	s3 =	sld [smem:$0x3FDB];
	s0 =	simm.s32 @p2 $0x1  }
0x17: {  	s4 =	simm.s32 $0x1BF5;
	[smem:$0x3FB8] =	sst s0  }
0x18: {  	s0 =	sld [smem:$0x3F9B];
	_ =	swait.ge [sflag:s4], $0x0  }
0x19: {  	s7 =	sld [smem:$0x3F9C]  }
0x1a: {  	s8 =	sadd.s32 $0xFFFFE003, lr  }
0x1b: {  	s9 =	sadd.s32 $0xFFFFFEF7, lr;
	s5 =	simm.s32 $0xFFFFFFFF;
	p2 =	slt.u32 s8, $0xFFFFF086  }
0x1c: {  	p1 =	slt.u32 s9, $0xF7A;
	s5 =	simm.s32 @!p2 $0x0  }
0x1d: {  	s5 =	simm.s32 @p1 $0x1;
	p0 =	seq.s32 s7, s2  }
0x1e: {  	s7 =	smul.u32 @!p0 $0xF7A, s2;
	p2 =	seq.s32 @!p0 s5, $0x0  }
0x1f: {  	s9 =	smul.u32 $0xF7A, s1;
	s8 =	simm.s32 @!p0 $0x1BF5;
	p2 =	por !p2, p0  }
0x20: {  	[sflag:s8] =	ssyncset.s32 @!p0 $0xFFFFF086;
	s6 =	sadd.s32 @!p0 s3, s7;
	s7 =	simm.s32 @!p0 $0x108  }
0x21: {  	s3 =	sadd.s32 s3, s9;
	s6 =	sadd.s32 @!p0 $0x88, s6;
	s7 =	simm.s32 @p2 $0x1082  }
0x22: {  	[simem:s7], [sflag:s8] =	dma.local @!p0 [hbm:s6], $0xF7A  }
0x23: {  	s9 =	sor.u32 $0xD0000000, s2;
	s6 =	simm.s32 $0x108;
	_ =	swait.ge @!p0 [sflag:s8], $0x0  }
0x24: {  	s3 =	sadd.s32 $0x88, s3;
	s6 =	simm.s32 @!p1 $0x1082;
	[sflag:s4] =	ssyncset.s32 $0xFFFFF086  }
0x25: {  	[simem:s6], [sflag:s4] =	dma.local [hbm:s3], $0xF7A  }
0x26: {  	[smem:$0x3F9C] =	sst s1;
	(tag) =	ssettag s2;
	_ =	strace s9  }
0x27: {  	s1 =	sld [smem:$0x3FAC]  }
0x28: {  	s2 =	sld [smem:$0x3FAD]  }
0x29: {  	s4 =	sld [smem:$0x3FAF]  }
0x2a: {  	p0 =	seq.s32 s5, $0x0;
	s5 =	sld [smem:$0x3FB0]  }
0x2b: {  	s6 =	sld [smem:$0x3FB1]  }
0x2c: {  	s7 =	sld [smem:$0x3FB2]  }
0x2d: {  	s3 =	simm.s32 $0x108;
	s8 =	sld [smem:$0x3FB3]  }
0x2e: {  	s3 =	simm.s32 @!p0 $0x1082;
	s9 =	sld [smem:$0x3FB4]  }
0x2f: {  	lr =	sadd.s32 s0, s3;
	s0 =	sld [smem:$0x3FAB]  }
0x30: {  	s3 =	sld [smem:$0x3FAE]  }
0x31: {  	[smem:$0x3FB7] =	sst s10  }
0x32: {  	s10 =	sld [smem:$0x3FB5];
	_ =	sdelay $0x3  }
0x33: {  	p0 =	seq.s32 s10, $0x1;
	s10 =	sld [smem:$0x3FB7];
	_ =	sdelay $0x3  }
0x34: {  	[smem:$0x3FB7] =	sst s10  }
0x35: {  	s10 =	sld [smem:$0x3FB6];
	_ =	sdelay $0x3  }
0x36: {  	p1 =	seq.s32 s10, $0x1;
	s10 =	sld [smem:$0x3FB7];
	_ =	sdelay $0x3  }
0x37: {  	[smem:$0x3FB7] =	sst s10  }
0x38: {  	s10 =	sld [smem:$0x3FB8]  }
0x39: {  	_ = 	snop;
	(pc) =	sbr.ind lr, $3  }
0x3a: {  	_ = 	snop  }
0x3b: {  	_ = 	snop  }
0x3c: {  	p2 =	seq.s32 s10, $0x1;
	s10 =	sld [smem:$0x3FB7]  }
0x3d: {  	_ =	shalt  }
0x3e: {  	_ =	shalt  }
0x3f: {  	_ =	shalt  }
0x40: {  	_ =	shalt  }
0x41: {  	_ =	shalt  }
0x42: {  	_ =	shalt  }
0x43: {  	_ =	shalt  }
0x44: {  	_ =	shalt  }
0x45: {  	_ =	shalt  }
0x46: {  	_ =	shalt  }
0x47: {  	_ =	shalt  }
0x48: {  	_ =	shalt  }
0x49: {  	_ =	shalt  }
0x4a: {  	_ =	shalt  }
0x4b: {  	_ =	shalt  }
0x4c: {  	_ =	shalt  }
0x4d: {  	_ =	shalt  }
0x4e: {  	_ =	shalt  }
0x4f: {  	_ =	shalt  }
0x50: {  	_ =	shalt  }
0x51: {  	_ =	shalt  }
0x52: {  	_ =	shalt  }
0x53: {  	_ =	shalt  }
0x54: {  	_ =	shalt  }
0x55: {  	_ =	shalt  }
0x56: {  	_ =	shalt  }
0x57: {  	_ =	shalt  }
0x58: {  	_ =	shalt  }
0x59: {  	_ =	shalt  }
0x5a: {  	_ =	shalt  }
0x5b: {  	_ =	shalt  }
0x5c: {  	_ =	shalt  }
0x5d: {  	_ =	shalt  }
0x5e: {  	_ =	shalt  }
0x5f: {  	_ =	shalt  }
0x60: {  	_ =	shalt  }
0x61: {  	_ =	shalt  }
0x62: {  	_ =	shalt  }
0x63: {  	_ =	shalt  }
0x64: {  	_ =	shalt  }
0x65: {  	_ =	shalt  }
0x66: {  	_ =	shalt  }
0x67: {  	_ =	shalt  }
0x68: {  	_ =	shalt  }
0x69: {  	_ =	shalt  }
0x6a: {  	_ =	shalt  }
0x6b: {  	_ =	shalt  }
0x6c: {  	_ =	shalt  }
0x6d: {  	_ =	shalt  }
0x6e: {  	_ =	shalt  }
0x6f: {  	_ =	shalt  }
0x70: {  	_ =	shalt  }
0x71: {  	_ =	shalt  }
0x72: {  	_ =	shalt  }
0x73: {  	_ =	shalt  }
0x74: {  	_ =	shalt  }
0x75: {  	_ =	shalt  }
0x76: {  	_ =	shalt  }
0x77: {  	_ =	shalt  }
0x78: {  	_ =	shalt  }
0x79: {  	_ =	shalt  }
0x7a: {  	_ =	shalt  }
0x7b: {  	_ =	shalt  }
0x7c: {  	_ =	shalt  }
0x7d: {  	_ =	shalt  }
0x7e: {  	_ =	shalt  }
0x7f: {  	_ =	shalt  }
0x80: {  	_ =	shalt  }
0x81: {  	_ =	shalt  }
0x82: {  	_ =	shalt  }
0x83: {  	_ =	shalt  }
0x84: {  	_ =	shalt  }
0x85: {  	_ =	shalt  }
0x86: {  	_ =	shalt  }
0x87: {  	_ =	shalt  }
.Lfunc_end0:
.L_simem_size_0:
called_computation_lowered:
.L_overlay_start_0:
0x88: {  	s2 =	sld [smem:$0x3FD9]  }
0x89: {  	s3 =	sld [smem:$0x3FFE];
	_ =	sdelay $0x1  }
0x8a: {  	s1 =	srdreg.scid  }
0x8b: {  	s0 =	sand.u32 $0x1, s1  }
0x8c: {  	s17 =	sshll.u32 s0, $0xA;
	s2 =	sadd.s32 s3, s2  }
0x8d: {  	s2 =	sadd.s32 s2, s17  }
0x8e: {  	[smem:$0x3FC3] =	sst s2  }
0x8f: {  	_ = 	snop  }
0x90: {  	s2 =	sld [smem:$0x3FC9]  }
0x91: {  	s18 =	sld [smem:$0x3FC8]  }
0x92: {  	s4 =	sld [smem:$0x3FC7];
	(tm) =	ssettm $0x1  }
0x93: {  	s5 =	sld [smem:$0x3FFB];
	_ =	sdelay $0x3  }
0x94: {  	_ =	strace s5  }
0x95: {  	s5 =	sld [smem:$0x3FFC];
	_ =	sdelay $0x3  }
0x96: {  	_ =	strace s5  }
0x97: {  	s5 =	sld [smem:$0x3FFD];
	_ =	sdelay $0x3  }
0x98: {  	_ =	strace s5  }
0x99: {  	_ =	strace $0x8FFFFFFF  }
0x9a: {  	s19 =	sld [smem:$0x3FDB];
	_ =	sdelay $0x1  }
0x9b: {  	s6 =	simm.s32 $_scs_section_size  }
0x9c: {  	s7 =	simm.s32 $_size__tile_overlayer_lowered;
	s8 =	simm.s32 $_tile_overlayer_lowered  }
0x9d: {  	s22 =	simm.s32 $0x1BFF;
	s21 =	sshll.u32 s8, $0x1;
	s5 =	sadd.s32 s6, s19  }
0x9e: {  	s9 =	simm.s32 $0x0;
	s20 =	sshll.u32 s7, $0x1;
	s7 =	sadd.s32 s21, s5  }
0x9f: {  	[timem:s9], [sflag:s22] =	dma.local [hbm:s7], s20  }
0xa0: {  	_ =	swait.ge [sflag:s22], s20  }
0xa1: {  	s6 =	ssub.s32 $0x0, s20;
	[sflag:s22] =	ssyncset.done $0x0  }
0xa2: {  	[sflag:s22] =	ssyncadd.s32 s6;
	_ =	sdelay $0x1  }
0xa3: {  	s23 =	simm.s32 $0x1B8B  }
0xa4: {  	_ =	swait.ge [sflag:s23], $0x1  }
0xa5: {  	[sflag:s23] =	ssyncset.done $0x0  }
0xa6: {  	s25 =	simm.s32 $0x1B8E;
	s24 =	sld [smem:$0x3FFE];
	[sflag:s23] =	ssyncadd.s32 $0xFFFFFFFF  }
0xa7: {  	s26 =	simm.s32 $execute0_lowered;
	[smem:$0x3FD2] =	sst s25  }
0xa8: {  	s7 =	sshll.u32 s26, $0x1;
	_ =	strace $0x80000046;
	[dreg:$0x1] =	wrdreg $0xFFFFFFFF  }
0xa9: {  	s28 =	simm.s32 $_size_execute0_lowered;
	s5 =	sadd.s32 s5, s7;
	[dreg:$0x0] =	wrdreg $0x0  }
0xaa: {  	s7 =	sshll.u32 s28, $0x1;
	[dreg:$0x2] =	wrdreg s5  }
0xab: {  	[dreg:$0x3] =	wrdreg s7  }
0xac: {  	[dreg:$0x4] =	wrdreg $0xC0  }
0xad: {  	_ =	task [dreg:s9], $0x5FFFF  }
0xae: {  	[dreg:$0x1] =	wrdreg $0xFFFFFFFF  }
0xaf: {  	[dreg:$0x0] =	wrdreg $0x60  }
0xb0: {  	[dreg:$0x2] =	wrdreg s2  }
0xb1: {  	[dreg:$0x3] =	wrdreg s18  }
0xb2: {  	[dreg:$0x4] =	wrdreg s4  }
0xb3: {  	[dreg:$0x5] =	wrdreg s24  }
0xb4: {  	[dreg:$0x6] =	wrdreg $0x9  }
0xb5: {  	_ =	task.clear_ibuf [dreg:s9], $0x7FFFF;
	_ =	strace $0x90000046  }
0xb6: {  	s29 =	simm.s32 $0x9;
	_ =	strace $0x80000048  }
0xb7: {  	_ =	swait.ge [sflag:s29], $0x1  }
0xb8: {  	[sflag:s29] =	ssyncadd.s32 $0xFFFFFFFF  }
0xb9: {  	_ =	strace $0x90000048  }
0xba: {  	_ =	sfence  }
0xbb: {  	s30 =	sld [smem:$0x0];
	_ =	sdelay $0x2  }
0xbc: {  	s31 =	sshll.u32 s1, $0xD;
	s1 =	sshrl.u32 s1, $0x2  }
0xbd: {  	s3 =	sand.u32 $0x4000, s31;
	s1 =	sadd.s32 s1, s30  }
0xbe: {  	s0 =	sor.u32 s3, s0;
	s1 =	sshll.u32 s1, $0x11  }
0xbf: {  	s0 =	sor.u32 s1, s0  }
0xc0: {  	s0 =	sadd.s32 $0x8F2B, s0  }
0xc1: {  	[sflag:s0] =	ssyncadd.remote.s32 $0x1  }
0xc2: {  	_ =	sfence.sel $0xFFFF  }
0xc3: {  	[dreg:$0x0] =	wrdreg $0xFFFFFFFF;
	(pc) =	sbr.abs _section_cstart, $3  }
0xc4: {  	[dreg:$0x1] =	wrdreg $0xFFFFFFFF  }
0xc5: {  	_ =	task.clear_ibuf [dreg:s9], $0x2FFFF;
	_ =	strace $0x9FFFFFFF  }
0xc6: {  	(tm) =	ssettm $0x7FFFFFFF  }
0xc7: {  	_ =	shalt  }
tec
execute0_lowered:
.L_overlay_start_1:
0x0: {  	(tag) =	ssettag $0x1  }
0x1: {  	s0 =	rddreg [dreg:$0x0]  }
0x2: {  	s1 =	rddreg [dreg:$0x1]  }
0x3: {  	s9 =	rddreg [dreg:$0x2]  }
0x4: {  	s5 =	rddreg [dreg:$0x3];
	s3 =	srdreg.scid  }
0x5: {  	s2 =	simm.s32 $0x0;
	s4 =	stileid.u32;
	s6 =	sand.u32 $0x1, s3  }
0x6: {  	s13 =	simm.s32 $0x1;
	s4 =	sshll.u32 s4, $0xA;
	s7 =	sshll.u32 s6, $0x9  }
0x7: {  	s14 =	simm.s32 $0x200;
	s15 =	simm.s32 $0x0;
	s7 =	sor.u32 s7, s4  }
0x8: {  	[smem:$0x7FF] =	sst s2;
	s3 =	sadd.s32 $0x1200, s5;
	s11 =	sshrl.u32 s7, $0x3  }
0x9: {  	_ =	strace $0x80000047;
	s6 =	ssub.s32 $0x2, s6;
	s0 =	sadd.s32 s0, s11  }
0xa: {  	vm1 =	vcmask $0x308;
	s8 =	sshll.u32 s7, $0x4;
	s28 =	sadd.s32 s1, s11;
	[dreg:$0x5] =	wrdreg s0  }
0xb: {  	vm2 =	vcmask $0x70C;
	vm3 =	vcmask $0xB10;
	vm4 =	vcmask $0xF14;
	s10 =	sadd.s32 s8, s5;
	s30 =	sadd.s32 s9, s11;
	[dreg:$0x7] =	wrdreg s28  }
0xc: {  	vm0 =	vmmov $0x1;
	vm5 =	vcmask $0x1318;
	vm6 =	vcmask $0x171C;
	s4 =	sadd.s32 $0xF43600, s5;
	s26 =	sadd.s32 $0x1E85A00, s10;
	[dreg:$0x9] =	wrdreg s30  }
0xd: {  	vm7 =	vcmask $0x1B20;
	vm8 =	vcmask $0x1F24;
	vm9 =	vcmask $0x2328;
	s25 =	sshrl.u32 s6, $0x1;
	s29 =	sadd.s32 $0x1EC5A00, s10;
	[dreg:$0x6] =	wrdreg s26  }
0xe: {  	vm10 =	vcmask $0x272C;
	vm11 =	vcmask $0x2B30;
	vm12 =	vcmask $0x2F34;
	s12 =	ssub.s32 s6, s25;
	s31 =	sadd.s32 $0x1F05A00, s10;
	[dreg:$0x8] =	wrdreg s29  }
0xf: {  	vm13 =	vcmask $0x3338;
	vm14 =	vcmask $0x373C;
	vm15 =	vmmov $0x7fff;
	s11 =	smax.u32 s12, $0x1;
	s12 =	simm.s32 $0x2;
	[dreg:$0xa] =	wrdreg s31  }
.LBB2_1:
0x10: {  	s0 =	rddreg [dreg:$0x5]  }
0x11: {  	[tilespmem:s2], [sflag:$0x2] =	stream.linear.gather [hbm4b:s0+s2], $0x200, $0x38;
	[tilespmem:$0x10200] =	vst v63  }
0x12: {  	_ =	swait.ge [sflag:s12], $0x200  }
0x13: {  	[sflag:s12] =	ssyncset.done $0x0  }
0x14: {  	[sflag:s12] =	ssyncadd.s32 $0xFFFFFE00  }
0x15: {  	v0 =	vld [tilespmem:s2+$0x0];
	_ =	sdelay $0x4  }
0x16: {  	v1 =	vnsel vm0, $0x0, v0  }
0x17: {  	v2 =	vsel vm2, $0x0, v0;
	(xrf0) =	vadd.scan.msk.s32 $0xffff, v1  }
0x18: {  	v40 =	vsel vm3, $0x0, v0;
	(xrf0) =	vadd.scan.msk.s32 $0xffff, v2  }
0x19: {  	v41 =	vsel vm1, $0x0, v0;
	(xrf0) =	vadd.scan.msk.s32 $0xffff, v40  }
0x1a: {  	(xrf0) =	vadd.scan.msk.s32 $0xffff, v41;
	_ =	sdelay $0x2  }
0x1b: {  	v42, _, _ =	vpop (xrf0)  }
0x1c: {  	v43 =	vsel vm8, $0x0, v0;
	(v2sf) =	vpush v42, $0xF;
	v44, _, _ =	vpop (xrf0)  }
0x1d: {  	v3 =	vsel vm9, $0x0, v0;
	(xrf0) =	vadd.scan.msk.s32 $0xffff, v43;
	(v2sf) =	vpush v44, $0xF;
	v45, _, _ =	vpop (xrf0)  }
0x1e: {  	v46 =	vsel vm5, $0x0, v0;
	(xrf0) =	vadd.scan.msk.s32 $0xffff, v3;
	v47, _, _ =	vpop (xrf0);
	(v2sf) =	vpush v45, $0xF  }
0x1f: {  	v48 =	vsel vm4, $0x0, v0;
	(xrf0) =	vadd.scan.msk.s32 $0xffff, v46;
	(v2sf) =	vpush v47, $0xF  }
0x20: {  	(xrf0) =	vadd.scan.msk.s32 $0xffff, v48;
	_ =	sdelay $0x1  }
0x21: {  	v49 =	vsel vm10, $0x0, v0  }
0x22: {  	v50 =	vsel vm11, $0x0, v0;
	(xrf0) =	vadd.scan.msk.s32 $0xffff, v49;
	v51, _, _ =	vpop (xrf0)  }
0x23: {  	v52 =	vsel vm12, $0x0, v0;
	(xrf0) =	vadd.scan.msk.s32 $0xffff, v50;
	v53, _, _ =	vpop (xrf0)  }
0x24: {  	v4 =	vsel vm13, $0x0, v0;
	(xrf0) =	vadd.scan.msk.s32 $0xffff, v52;
	(v2sf) =	vpush v51, $0xF;
	v54, _, _ =	vpop (xrf0)  }
0x25: {  	v55 =	vsel vm14, $0x0, v0;
	(xrf0) =	vadd.scan.msk.s32 $0xffff, v4;
	v56, _, _ =	vpop (xrf0)  }
0x26: {  	v5 =	vsel vm6, $0x0, v0;
	(xrf0) =	vadd.scan.msk.s32 $0xffff, v55;
	(v2sf) =	vpush v56, $0xF  }
0x27: {  	v57 =	vsel vm7, $0x0, v0;
	(xrf0) =	vadd.scan.msk.s32 $0xffff, v5  }
0x28: {  	s16 =	simm.s32 $0x2000;
	s17 =	simm.s32 $0x0;
	s7 =	simm.s32 $0x300;
	(xrf0) =	vadd.scan.msk.s32 $0xffff, v57;
	v58, _, _ =	vpop (xrf0);
	(v2sf) =	vpush v54, $0xF  }
0x29: {  	s1 =	simm.s32 $0x400;
	s21 =	simm.s32 $0x580;
	s18 =	simm.s32 $0x200;
	v59, _, _ =	vpop (xrf0)  }
0x2a: {  	s25 =	simm.s32 $0x280;
	s22 =	simm.s32 $0x500;
	(v2sf) =	vpush v58, $0xF;
	v60, _, _ =	vpop (xrf0);
	s19 =	spop (v2sf)  }
0x2b: {  	s26 =	simm.s32 $0x480;
	v61, _, _ =	vpop (xrf0);
	s19 =	sshll.u32 s19, $0x4;
	s28 =	spop (v2sf)  }
0x2c: {  	s20 =	simm.s32 $0x800;
	v62, _, _ =	vpop (xrf0);
	(v2sf) =	vpush v53, $0xF;
	s23 =	sand.u32 $0x1FFFFFF0, s19;
	s29 =	spop (v2sf)  }
0x2d: {  	s24 =	simm.s32 $0x700;
	v63, _, _ =	vpop (xrf0);
	s23 =	sadd.s32 s3, s23;
	s30 =	spop (v2sf)  }
0x2e: {  	v6, _, _ =	vpop (xrf0);
	(v2sf) =	vpush v63, $0xF;
	[tilespmem:s18], [sflag:$0x1] =	stream.linear.gather [hbm4b:s23+s2], $0x80, $0x38;
	[tilespmem:$0x10200] =	vst v63  }
0x2f: {  	s19 =	simm.s32 $0x880;
	(v2sf) =	vpush v6, $0xF;
	s28 =	sshll.u32 s28, $0x4;
	s30 =	sshll.u32 s30, $0x4  }
0x30: {  	s28 =	sand.u32 $0x1FFFFFF0, s28;
	s29 =	sshll.u32 s29, $0x4;
	s30 =	sand.u32 $0x1FFFFFF0, s30  }
0x31: {  	(v2sf) =	vpush v59, $0xF;
	s18 =	simm.s32 $0x10;
	s23 =	simm.s32 $0x780;
	s30 =	sadd.s32 s3, s30  }
0x32: {  	[tilespmem:s25], [sflag:$0x1] =	stream.linear.gather [hbm4b:s30+s2], $0x80, $0x38;
	[tilespmem:$0x10200] =	vst v63  }
0x33: {  	s8 =	sand.u32 $0x1FFFFFF0, s29;
	s28 =	sadd.s32 s3, s28;
	s30 =	spop (v2sf)  }
0x34: {  	v0 =	vsel vm15, $0x0, v0;
	[tilespmem:s7], [sflag:$0x1] =	stream.linear.gather [hbm4b:s28+s2], $0x80, $0x38;
	[tilespmem:$0x10200] =	vst v63  }
0x35: {  	(xrf0) =	vadd.scan.msk.s32 $0xffff, v0;
	(v2sf) =	vpush v60, $0xF;
	s25 =	sadd.s32 s3, s8;
	s28 =	simm.s32 $0x380;
	s9 =	spop (v2sf)  }
0x36: {  	[tilespmem:s28], [sflag:$0x1] =	stream.linear.gather [hbm4b:s25+s2], $0x80, $0x38;
	[tilespmem:$0x10200] =	vst v63  }
0x37: {  	(v2sf) =	vpush v61, $0xF;
	s10 =	sshll.u32 s30, $0x4;
	s0 =	sshll.u32 s9, $0x4;
	s28 =	spop (v2sf)  }
0x38: {  	s30 =	simm.s32 $0x600;
	s0 =	sand.u32 $0x1FFFFFF0, s0;
	s28 =	sshll.u32 s28, $0x4  }
0x39: {  	s5 =	spop (v2sf);
	s28 =	sand.u32 $0x1FFFFFF0, s28;
	s0 =	sadd.s32 s3, s0  }
0x3a: {  	[tilespmem:s1], [sflag:$0x1] =	stream.linear.gather [hbm4b:s0+s2], $0x80, $0x38;
	[tilespmem:$0x10200] =	vst v63  }
0x3b: {  	s31 =	sand.u32 $0x1FFFFFF0, s10;
	s7 =	sadd.s32 s3, s28;
	s6 =	spop (v2sf);
	(v2sf) =	vpush v62, $0xF  }
0x3c: {  	v0, _, _ =	vpop (xrf0);
	[tilespmem:s26], [sflag:$0x1] =	stream.linear.gather [hbm4b:s7+s2], $0x80, $0x38;
	[tilespmem:$0x10200] =	vst v63  }
0x3d: {  	s25 =	simm.s32 $0x680;
	s8 =	sshll.u32 s5, $0x4;
	s9 =	spop (v2sf);
	(v2sf) =	vpush v0, $0xF  }
0x3e: {  	s0 =	sand.u32 $0x1FFFFFF0, s8;
	s5 =	sshll.u32 s9, $0x4;
	s10 =	spop (v2sf)  }
0x3f: {  	s28 =	sshll.u32 s6, $0x4;
	s26 =	sand.u32 $0x1FFFFFF0, s5;
	s1 =	sshll.u32 s10, $0x4  }
.LBB2_2:
0x40: {  	s5 =	sadd.s32 s3, s26;
	s1 =	sand.u32 $0x1FFFFFF0, s1;
	s26 =	spop (v2sf)  }
0x41: {  	[tilespmem:s22], [sflag:$0x1] =	stream.linear.gather [hbm4b:s5+s2], $0x80, $0x38;
	[tilespmem:$0x10200] =	vst v63  }
0x42: {  	s1 =	sadd.s32 s3, s1;
	s5 =	sand.u32 $0x1FFFFFF0, s28;
	s22 =	sshll.u32 s26, $0x4  }
0x43: {  	[tilespmem:s21], [sflag:$0x1] =	stream.linear.gather [hbm4b:s1+s2], $0x80, $0x38;
	[tilespmem:$0x10200] =	vst v63  }
0x44: {  	s1 =	sadd.s32 s3, s31;
	s21 =	sand.u32 $0x1FFFFFF0, s22;
	s22 =	spop (v2sf)  }
0x45: {  	[tilespmem:s30], [sflag:$0x1] =	stream.linear.gather [hbm4b:s1+s2], $0x80, $0x38;
	[tilespmem:$0x10200] =	vst v63  }
0x46: {  	s1 =	sadd.s32 s3, s5;
	s5 =	sshll.u32 s22, $0x4;
	s22 =	spop (v2sf)  }
0x47: {  	[tilespmem:s25], [sflag:$0x1] =	stream.linear.gather [hbm4b:s1+s2], $0x80, $0x38;
	[tilespmem:$0x10200] =	vst v63  }
0x48: {  	s0 =	sadd.s32 s3, s0;
	s1 =	sand.u32 $0x1FFFFFF0, s5;
	s5 =	sshll.u32 s22, $0x4  }
0x49: {  	[tilespmem:s24], [sflag:$0x1] =	stream.linear.gather [hbm4b:s0+s2], $0x80, $0x38;
	[tilespmem:$0x10200] =	vst v63  }
0x4a: {  	s5 =	sand.u32 $0x1FFFFFF0, s5;
	s0 =	sadd.s32 s3, s21;
	s21 =	spop (v2sf)  }
0x4b: {  	[tilespmem:s23], [sflag:$0x1] =	stream.linear.gather [hbm4b:s0+s2], $0x80, $0x38;
	[tilespmem:$0x10200] =	vst v63  }
0x4c: {  	s0 =	sadd.s32 s3, s1;
	s1 =	sshll.u32 s21, $0x4;
	s21 =	spop (v2sf)  }
0x4d: {  	[tilespmem:s20], [sflag:$0x1] =	stream.linear.gather [hbm4b:s0+s2], $0x80, $0x38;
	[tilespmem:$0x10200] =	vst v63  }
0x4e: {  	s1 =	sand.u32 $0x1FFFFFF0, s1;
	s0 =	sadd.s32 s3, s5;
	s5 =	sshll.u32 s21, $0x4  }
0x4f: {  	[tilespmem:s19], [sflag:$0x1] =	stream.linear.gather [hbm4b:s0+s2], $0x80, $0x38;
	[tilespmem:$0x10200] =	vst v63  }
0x50: {  	s1 =	sadd.s32 s3, s1;
	s5 =	sand.u32 $0x1FFFFFF0, s5;
	s0 =	sadd.s32 $0x900, s17  }
0x51: {  	[tilespmem:s0], [sflag:$0x1] =	stream.linear.gather [hbm4b:s1+s2], $0x80, $0x38;
	[tilespmem:$0x10200] =	vst v63  }
0x52: {  	p0 =	sne.s32 s16, $0x3E000;
	s0 =	sadd.s32 $0x980, s17;
	s1 =	sadd.s32 s3, s5  }
0x53: {  	[tilespmem:s0], [sflag:$0x1] =	stream.linear.gather [hbm4b:s1+s2], $0x80, $0x38;
	[tilespmem:$0x10200] =	vst v63  }
0x54: {  	s0 =	smov.u32 s16;
	s16 =	sadd.s32 $0x2000, s16;
	v0 =	vld [tilespmem:s18+$0x0];
	_ =	sdelay $0x4  }
0x55: {  	v1 =	vnsel vm0, $0x0, v0;
	v2 =	vsel vm3, $0x0, v0;
	v3 =	vsel vm14, $0x0, v0  }
0x56: {  	v4 =	vsel vm2, $0x0, v0;
	v5 =	vsel vm15, $0x0, v0;
	(xrf0) =	vadd.scan.msk.s32 $0xffff, v1  }
0x57: {  	v6 =	vsel vm6, $0x0, v0;
	v1 =	vsel vm1, $0x0, v0;
	(xrf0) =	vadd.scan.msk.s32 $0xffff, v4  }
0x58: {  	v4 =	vsel vm7, $0x0, v0;
	(xrf0) =	vadd.scan.msk.s32 $0xffff, v2  }
0x59: {  	v2 =	vsel vm8, $0x0, v0;
	(xrf0) =	vadd.scan.msk.s32 $0xffff, v1  }
0x5a: {  	v1 =	vsel vm9, $0x0, v0;
	(xrf0) =	vadd.scan.msk.s32 $0xffff, v2  }
0x5b: {  	v2 =	vsel vm5, $0x0, v0;
	(xrf0) =	vadd.scan.msk.s32 $0xffff, v1  }
0x5c: {  	v1 =	vsel vm4, $0x0, v0;
	v7, _, _ =	vpop (xrf0);
	(xrf0) =	vadd.scan.msk.s32 $0xffff, v2  }
0x5d: {  	v2 =	vsel vm10, $0x0, v0;
	(v2sf) =	vpush v7, $0xF;
	v7, _, _ =	vpop (xrf0);
	(xrf0) =	vadd.scan.msk.s32 $0xffff, v1  }
0x5e: {  	v9 =	vsel vm11, $0x0, v0;
	(v2sf) =	vpush v7, $0xF;
	v7, _, _ =	vpop (xrf0);
	(xrf0) =	vadd.scan.msk.s32 $0xffff, v2  }
0x5f: {  	s17 =	sshra.s32 s0, $0x2;
	v2 =	vsel vm12, $0x0, v0;
	v8, _, _ =	vpop (xrf0);
	(v2sf) =	vpush v7, $0xF;
	(xrf0) =	vadd.scan.msk.s32 $0xffff, v9  }
0x60: {  	s28 =	sadd.s32 $0x300, s17;
	v7 =	vsel vm13, $0x0, v0;
	(v2sf) =	vpush v8, $0xF;
	v1, _, _ =	vpop (xrf0);
	(xrf0) =	vadd.scan.msk.s32 $0xffff, v2  }
0x61: {  	s26 =	sadd.s32 $0x400, s17;
	s21 =	sadd.s32 $0x580, s17;
	(v2sf) =	vpush v1, $0xF;
	v1, _, _ =	vpop (xrf0);
	(xrf0) =	vadd.scan.msk.s32 $0xffff, v7  }
0x62: {  	s1 =	sadd.s32 $0x200, s17;
	s0 =	sadd.s32 $0x280, s17;
	v0, _, _ =	vpop (xrf0);
	(xrf0) =	vadd.scan.msk.s32 $0xffff, v3  }
0x63: {  	s22 =	sadd.s32 $0x500, s17;
	v2, _, _ =	vpop (xrf0);
	(xrf0) =	vadd.scan.msk.s32 $0xffff, v6  }
0x64: {  	s29 =	sadd.s32 $0x480, s17;
	(v2sf) =	vpush v2, $0xF;
	(xrf0) =	vadd.scan.msk.s32 $0xffff, v4;
	v2, _, _ =	vpop (xrf0)  }
0x65: {  	(v2sf) =	vpush v0, $0xF;
	v0, _, _ =	vpop (xrf0);
	(xrf0) =	vadd.scan.msk.s32 $0xffff, v5  }
0x66: {  	(v2sf) =	vpush v2, $0xF;
	v2, _, _ =	vpop (xrf0)  }
0x67: {  	v3, _, _ =	vpop (xrf0)  }
0x68: {  	v4, _, _ =	vpop (xrf0)  }
0x69: {  	v5, _, _ =	vpop (xrf0);
	(v2sf) =	vpush v1, $0xF  }
0x6a: {  	v1, _, _ =	vpop (xrf0)  }
0x6b: {  	s18 =	sadd.s32 $0x10, s18;
	s20 =	sadd.s32 $0x800, s17;
	s19 =	sadd.s32 $0x880, s17;
	(v2sf) =	vpush v5, $0xF;
	v5, _, _ =	vpop (xrf0)  }
0x6c: {  	s24 =	sadd.s32 $0x700, s17;
	s23 =	sadd.s32 $0x780, s17;
	s5 =	spop (v2sf)  }
0x6d: {  	s25 =	sadd.s32 $0x680, s17;
	s5 =	sshll.u32 s5, $0x4;
	s30 =	spop (v2sf);
	(v2sf) =	vpush v1, $0xF  }
0x6e: {  	s5 =	sand.u32 $0x1FFFFFF0, s5;
	s30 =	sshll.u32 s30, $0x4;
	s31 =	spop (v2sf)  }
0x6f: {  	s5 =	sadd.s32 s3, s5;
	s6 =	sand.u32 $0x1FFFFFF0, s30;
	s30 =	spop (v2sf)  }
0x70: {  	s31 =	sshll.u32 s31, $0x4;
	s30 =	sshll.u32 s30, $0x4;
	s7 =	spop (v2sf)  }
0x71: {  	s9 =	sand.u32 $0x1FFFFFF0, s31;
	s8 =	sand.u32 $0x1FFFFFF0, s30;
	s7 =	sshll.u32 s7, $0x4;
	(v2sf) =	vpush v0, $0xF  }
0x72: {  	[tilespmem:s1], [sflag:$0x1] =	stream.linear.gather [hbm4b:s5+s2], $0x80, $0x38;
	[tilespmem:$0x10200] =	vst v63  }
0x73: {  	s30 =	sadd.s32 $0x600, s17;
	s31 =	sand.u32 $0x1FFFFFF0, s7;
	s1 =	spop (v2sf)  }
0x74: {  	s5 =	sadd.s32 $0x380, s17;
	s1 =	sshll.u32 s1, $0x4;
	s7 =	spop (v2sf)  }
0x75: {  	s1 =	sand.u32 $0x1FFFFFF0, s1;
	s7 =	sshll.u32 s7, $0x4;
	s10 =	spop (v2sf);
	(v2sf) =	vpush v2, $0xF  }
0x76: {  	s8 =	sadd.s32 s3, s8;
	s7 =	sand.u32 $0x1FFFFFF0, s7;
	s10 =	sshll.u32 s10, $0x4  }
0x77: {  	[tilespmem:s0], [sflag:$0x1] =	stream.linear.gather [hbm4b:s8+s2], $0x80, $0x38;
	(v2sf) =	vpush v3, $0xF;
	[tilespmem:$0x10200] =	vst v63  }
0x78: {  	s6 =	sadd.s32 s3, s6;
	s0 =	sand.u32 $0x1FFFFFF0, s10;
	s8 =	spop (v2sf)  }
0x79: {  	[tilespmem:s28], [sflag:$0x1] =	stream.linear.gather [hbm4b:s6+s2], $0x80, $0x38;
	[tilespmem:$0x10200] =	vst v63  }
0x7a: {  	s6 =	sadd.s32 s3, s9;
	s28 =	sshll.u32 s8, $0x4;
	s8 =	spop (v2sf)  }
0x7b: {  	[tilespmem:s5], [sflag:$0x1] =	stream.linear.gather [hbm4b:s6+s2], $0x80, $0x38;
	[tilespmem:$0x10200] =	vst v63  }
.Ltmp0:
0x7c: {  	(v2sf) =	vpush v4, $0xF;
	(pc) =	sbr.rel @p0 .LBB2_2-.Ltmp0, $4  }
0x7d: {  	s1 =	sadd.s32 s3, s1;
	s5 =	sshll.u32 s8, $0x4;
	s6 =	spop (v2sf)  }
0x7e: {  	[tilespmem:s26], [sflag:$0x1] =	stream.linear.gather [hbm4b:s1+s2], $0x80, $0x38;
	(v2sf) =	vpush v5, $0xF;
	[tilespmem:$0x10200] =	vst v63  }
0x7f: {  	s7 =	sadd.s32 s3, s7;
	s26 =	sand.u32 $0x1FFFFFF0, s5;
	s1 =	sshll.u32 s6, $0x4  }
0x80: {  	[tilespmem:s29], [sflag:$0x1] =	stream.linear.gather [hbm4b:s7+s2], $0x80, $0x38;
	[tilespmem:$0x10200] =	vst v63  }
0x81: {  	s5 =	sadd.s32 s3, s26;
	s1 =	sand.u32 $0x1FFFFFF0, s1;
	s6 =	spop (v2sf)  }
0x82: {  	[tilespmem:s22], [sflag:$0x1] =	stream.linear.gather [hbm4b:s5+s2], $0x80, $0x38;
	[tilespmem:$0x10200] =	vst v63  }
0x83: {  	s10 =	sand.u32 $0x1FFFFFF0, s28;
	s16 =	sadd.s32 s3, s31;
	s1 =	sadd.s32 s3, s1  }
0x84: {  	[tilespmem:s21], [sflag:$0x1] =	stream.linear.gather [hbm4b:s1+s2], $0x80, $0x38;
	[tilespmem:$0x10200] =	vst v63  }
0x85: {  	s0 =	sadd.s32 s3, s0;
	s6 =	sshll.u32 s6, $0x4;
	s7 =	spop (v2sf)  }
0x86: {  	[tilespmem:s30], [sflag:$0x1] =	stream.linear.gather [hbm4b:s16+s2], $0x80, $0x38;
	[tilespmem:$0x10200] =	vst v63  }
0x87: {  	s18 =	sadd.s32 s3, s10;
	s6 =	sand.u32 $0x1FFFFFF0, s6;
	s21 =	sshll.u32 s7, $0x4  }
0x88: {  	[tilespmem:s25], [sflag:$0x1] =	stream.linear.gather [hbm4b:s18+s2], $0x80, $0x38;
	[tilespmem:$0x10200] =	vst v63  }
0x89: {  	s6 =	sadd.s32 s3, s6;
	s22 =	spop (v2sf);
	s26 =	sand.u32 $0x1FFFFFF0, s21  }
0x8a: {  	[tilespmem:s24], [sflag:$0x1] =	stream.linear.gather [hbm4b:s0+s2], $0x80, $0x38;
	[tilespmem:$0x10200] =	vst v63  }
0x8b: {  	s29 =	sshll.u32 s22, $0x4;
	s8 =	sadd.s32 s3, s26;
	s7 =	spop (v2sf)  }
0x8c: {  	[tilespmem:s23], [sflag:$0x1] =	stream.linear.gather [hbm4b:s6+s2], $0x80, $0x38;
	[tilespmem:$0x10200] =	vst v63  }
0x8d: {  	s5 =	sand.u32 $0x1FFFFFF0, s29;
	s9 =	sshll.u32 s7, $0x4;
	s10 =	spop (v2sf)  }
0x8e: {  	[tilespmem:s20], [sflag:$0x1] =	stream.linear.gather [hbm4b:s8+s2], $0x80, $0x38;
	[tilespmem:$0x10200] =	vst v63  }
0x8f: {  	s16 =	sadd.s32 s3, s5;
	s1 =	sand.u32 $0x1FFFFFF0, s9;
	s18 =	sshll.u32 s10, $0x4  }
0x90: {  	[tilespmem:s19], [sflag:$0x1] =	stream.linear.gather [hbm4b:s16+s2], $0x80, $0x38;
	[tilespmem:$0x10200] =	vst v63  }
0x91: {  	s1 =	sadd.s32 s3, s1;
	s5 =	sand.u32 $0x1FFFFFF0, s18;
	s19 =	sadd.s32 $0x900, s17  }
0x92: {  	[tilespmem:s19], [sflag:$0x1] =	stream.linear.gather [hbm4b:s1+s2], $0x80, $0x38;
	[tilespmem:$0x10200] =	vst v63  }
0x93: {  	s20 =	sadd.s32 $0x980, s17;
	s21 =	sadd.s32 s3, s5  }
0x94: {  	[tilespmem:s20], [sflag:$0x1] =	stream.linear.gather [hbm4b:s21+s2], $0x80, $0x38;
	[tilespmem:$0x10200] =	vst v63  }
0x95: {  	_ =	swait.ge [sflag:s13], $0x10000  }
0x96: {  	[sflag:s13] =	ssyncset.done $0x0  }
0x97: {  	s22 =	simm.s32 $0x0;
	s23 =	rddreg [dreg:$0x6];
	[sflag:s13] =	ssyncadd.s32 $0xFFFF0000  }
0x98: {  	[hbm4b:s23+s22] =	stream.linear.scatter [tilespmem:s14], [sflag:$0x2], $0x10000, $0x38;
	[tilespmem:$0x10200] =	vst v63  }
0x99: {  	_ =	swait.ge [sflag:s12], $0x10000  }
0x9a: {  	[sflag:s12] =	ssyncset.done $0x0  }
0x9b: {  	s24 =	rddreg [dreg:$0x7];
	[sflag:s12] =	ssyncadd.s32 $0xFFFF0000  }
0x9c: {  	[tilespmem:s22], [sflag:$0x2] =	stream.linear.gather [hbm4b:s24+s22], $0x200, $0x38;
	[tilespmem:$0x10200] =	vst v63  }
0x9d: {  	_ =	swait.ge [sflag:s12], $0x200  }
0x9e: {  	[sflag:s12] =	ssyncset.done $0x0  }
0x9f: {  	[sflag:s12] =	ssyncadd.s32 $0xFFFFFE00  }
0xa0: {  	v0 =	vld [tilespmem:s22+$0x0];
	_ =	sdelay $0x4  }
0xa1: {  	v1 =	vnsel vm0, $0x0, v0  }
0xa2: {  	v2 =	vsel vm2, $0x0, v0;
	(xrf0) =	vadd.scan.msk.s32 $0xffff, v1  }
0xa3: {  	v40 =	vsel vm3, $0x0, v0;
	(xrf0) =	vadd.scan.msk.s32 $0xffff, v2  }
0xa4: {  	v41 =	vsel vm1, $0x0, v0;
	(xrf0) =	vadd.scan.msk.s32 $0xffff, v40  }
0xa5: {  	(xrf0) =	vadd.scan.msk.s32 $0xffff, v41;
	_ =	sdelay $0x2  }
0xa6: {  	v42, _, _ =	vpop (xrf0)  }
0xa7: {  	v43 =	vsel vm8, $0x0, v0;
	(v2sf) =	vpush v42, $0xF;
	v44, _, _ =	vpop (xrf0)  }
0xa8: {  	v3 =	vsel vm9, $0x0, v0;
	(xrf0) =	vadd.scan.msk.s32 $0xffff, v43;
	(v2sf) =	vpush v44, $0xF;
	v45, _, _ =	vpop (xrf0)  }
0xa9: {  	v46 =	vsel vm5, $0x0, v0;
	(xrf0) =	vadd.scan.msk.s32 $0xffff, v3;
	v47, _, _ =	vpop (xrf0);
	(v2sf) =	vpush v45, $0xF  }
0xaa: {  	v48 =	vsel vm4, $0x0, v0;
	(xrf0) =	vadd.scan.msk.s32 $0xffff, v46;
	(v2sf) =	vpush v47, $0xF  }
0xab: {  	(xrf0) =	vadd.scan.msk.s32 $0xffff, v48;
	_ =	sdelay $0x1  }
0xac: {  	v49 =	vsel vm10, $0x0, v0  }
0xad: {  	v50 =	vsel vm11, $0x0, v0;
	(xrf0) =	vadd.scan.msk.s32 $0xffff, v49;
	v51, _, _ =	vpop (xrf0)  }
0xae: {  	v52 =	vsel vm12, $0x0, v0;
	(xrf0) =	vadd.scan.msk.s32 $0xffff, v50;
	v53, _, _ =	vpop (xrf0)  }
0xaf: {  	v4 =	vsel vm13, $0x0, v0;
	(xrf0) =	vadd.scan.msk.s32 $0xffff, v52;
	(v2sf) =	vpush v51, $0xF;
	v54, _, _ =	vpop (xrf0)  }
0xb0: {  	v55 =	vsel vm14, $0x0, v0;
	(xrf0) =	vadd.scan.msk.s32 $0xffff, v4;
	v56, _, _ =	vpop (xrf0)  }
0xb1: {  	v5 =	vsel vm6, $0x0, v0;
	(xrf0) =	vadd.scan.msk.s32 $0xffff, v55;
	(v2sf) =	vpush v56, $0xF  }
0xb2: {  	v57 =	vsel vm7, $0x0, v0;
	(xrf0) =	vadd.scan.msk.s32 $0xffff, v5  }
0xb3: {  	s30 =	simm.s32 $0x600;
	s25 =	simm.s32 $0x200;
	s0 =	simm.s32 $0x300;
	(xrf0) =	vadd.scan.msk.s32 $0xffff, v57;
	v58, _, _ =	vpop (xrf0);
	(v2sf) =	vpush v54, $0xF  }
0xb4: {  	s6 =	simm.s32 $0x280;
	s8 =	simm.s32 $0x480;
	s18 =	simm.s32 $0x10;
	v59, _, _ =	vpop (xrf0)  }
0xb5: {  	s16 =	simm.s32 $0x2000;
	s17 =	simm.s32 $0x0;
	(v2sf) =	vpush v58, $0xF;
	v60, _, _ =	vpop (xrf0);
	s26 =	spop (v2sf)  }
0xb6: {  	s1 =	simm.s32 $0x400;
	v61, _, _ =	vpop (xrf0);
	s7 =	sshll.u32 s26, $0x4;
	s9 =	spop (v2sf)  }
0xb7: {  	s19 =	simm.s32 $0x880;
	(v2sf) =	vpush v53, $0xF;
	v62, _, _ =	vpop (xrf0);
	s7 =	sand.u32 $0x1FFFFFF0, s7;
	s10 =	spop (v2sf)  }
0xb8: {  	s21 =	simm.s32 $0x580;
	v63, _, _ =	vpop (xrf0);
	s7 =	sadd.s32 s4, s7;
	s29 =	spop (v2sf)  }
0xb9: {  	v6, _, _ =	vpop (xrf0);
	(v2sf) =	vpush v63, $0xF;
	[tilespmem:s25], [sflag:$0x1] =	stream.linear.gather [hbm4b:s7+s2], $0x80, $0x38;
	[tilespmem:$0x10200] =	vst v63  }
0xba: {  	s20 =	simm.s32 $0x800;
	s23 =	simm.s32 $0x780;
	(v2sf) =	vpush v6, $0xF;
	s7 =	sshll.u32 s29, $0x4  }
0xbb: {  	s24 =	simm.s32 $0x700;
	s25 =	sshll.u32 s9, $0x4;
	s5 =	sand.u32 $0x1FFFFFF0, s7  }
0xbc: {  	s26 =	sshll.u32 s10, $0x4;
	(v2sf) =	vpush v59, $0xF;
	s7 =	sand.u32 $0x1FFFFFF0, s25;
	s5 =	sadd.s32 s4, s5  }
0xbd: {  	[tilespmem:s6], [sflag:$0x1] =	stream.linear.gather [hbm4b:s5+s2], $0x80, $0x38;
	[tilespmem:$0x10200] =	vst v63  }
0xbe: {  	s9 =	sand.u32 $0x1FFFFFF0, s26;
	s7 =	sadd.s32 s4, s7;
	s29 =	spop (v2sf)  }
0xbf: {  	v0 =	vsel vm15, $0x0, v0;
	[tilespmem:s0], [sflag:$0x1] =	stream.linear.gather [hbm4b:s7+s2], $0x80, $0x38;
	[tilespmem:$0x10200] =	vst v63  }
0xc0: {  	(xrf0) =	vadd.scan.msk.s32 $0xffff, v0;
	s25 =	simm.s32 $0x380;
	(v2sf) =	vpush v60, $0xF;
	s6 =	sadd.s32 s4, s9;
	s10 =	spop (v2sf)  }
0xc1: {  	[tilespmem:s25], [sflag:$0x1] =	stream.linear.gather [hbm4b:s6+s2], $0x80, $0x38;
	[tilespmem:$0x10200] =	vst v63  }
0xc2: {  	s22 =	simm.s32 $0x500;
	(v2sf) =	vpush v61, $0xF;
	s0 =	sshll.u32 s10, $0x4;
	s26 =	spop (v2sf)  }
0xc3: {  	s5 =	sshll.u32 s29, $0x4;
	s0 =	sand.u32 $0x1FFFFFF0, s0;
	s6 =	sshll.u32 s26, $0x4  }
0xc4: {  	s29 =	spop (v2sf);
	s6 =	sand.u32 $0x1FFFFFF0, s6;
	s0 =	sadd.s32 s4, s0  }
0xc5: {  	[tilespmem:s1], [sflag:$0x1] =	stream.linear.gather [hbm4b:s0+s2], $0x80, $0x38;
	[tilespmem:$0x10200] =	vst v63  }
0xc6: {  	s31 =	sand.u32 $0x1FFFFFF0, s5;
	s1 =	spop (v2sf);
	s9 =	sadd.s32 s4, s6;
	(v2sf) =	vpush v62, $0xF  }
0xc7: {  	v0, _, _ =	vpop (xrf0);
	[tilespmem:s8], [sflag:$0x1] =	stream.linear.gather [hbm4b:s9+s2], $0x80, $0x38;
	[tilespmem:$0x10200] =	vst v63  }
0xc8: {  	s25 =	simm.s32 $0x680;
	s10 =	sshll.u32 s29, $0x4;
	s26 =	spop (v2sf);
	(v2sf) =	vpush v0, $0xF  }
0xc9: {  	s0 =	sand.u32 $0x1FFFFFF0, s10;
	s5 =	sshll.u32 s26, $0x4;
	s29 =	spop (v2sf)  }
0xca: {  	s28 =	sshll.u32 s1, $0x4;
	s1 =	sand.u32 $0x1FFFFFF0, s5;
	s26 =	sshll.u32 s29, $0x4  }
.LBB2_4:
0xcb: {  	s1 =	sadd.s32 s4, s1;
	s5 =	sand.u32 $0x1FFFFFF0, s26;
	s6 =	spop (v2sf)  }
0xcc: {  	[tilespmem:s22], [sflag:$0x1] =	stream.linear.gather [hbm4b:s1+s2], $0x80, $0x38;
	[tilespmem:$0x10200] =	vst v63  }
0xcd: {  	s1 =	sadd.s32 s4, s5;
	s5 =	sand.u32 $0x1FFFFFF0, s28;
	s6 =	sshll.u32 s6, $0x4  }
0xce: {  	[tilespmem:s21], [sflag:$0x1] =	stream.linear.gather [hbm4b:s1+s2], $0x80, $0x38;
	[tilespmem:$0x10200] =	vst v63  }
0xcf: {  	s6 =	sand.u32 $0x1FFFFFF0, s6;
	s1 =	sadd.s32 s4, s31;
	s7 =	spop (v2sf)  }
0xd0: {  	[tilespmem:s30], [sflag:$0x1] =	stream.linear.gather [hbm4b:s1+s2], $0x80, $0x38;
	[tilespmem:$0x10200] =	vst v63  }
0xd1: {  	s1 =	sadd.s32 s4, s5;
	s5 =	sshll.u32 s7, $0x4;
	s7 =	spop (v2sf)  }
0xd2: {  	[tilespmem:s25], [sflag:$0x1] =	stream.linear.gather [hbm4b:s1+s2], $0x80, $0x38;
	[tilespmem:$0x10200] =	vst v63  }
0xd3: {  	s0 =	sadd.s32 s4, s0;
	s1 =	sand.u32 $0x1FFFFFF0, s5;
	s5 =	sshll.u32 s7, $0x4  }
0xd4: {  	[tilespmem:s24], [sflag:$0x1] =	stream.linear.gather [hbm4b:s0+s2], $0x80, $0x38;
	[tilespmem:$0x10200] =	vst v63  }
0xd5: {  	s5 =	sand.u32 $0x1FFFFFF0, s5;
	s0 =	sadd.s32 s4, s6;
	s6 =	spop (v2sf)  }
0xd6: {  	[tilespmem:s23], [sflag:$0x1] =	stream.linear.gather [hbm4b:s0+s2], $0x80, $0x38;
	[tilespmem:$0x10200] =	vst v63  }
0xd7: {  	s0 =	sadd.s32 s4, s1;
	s1 =	sshll.u32 s6, $0x4;
	s6 =	spop (v2sf)  }
0xd8: {  	[tilespmem:s20], [sflag:$0x1] =	stream.linear.gather [hbm4b:s0+s2], $0x80, $0x38;
	[tilespmem:$0x10200] =	vst v63  }
0xd9: {  	s1 =	sand.u32 $0x1FFFFFF0, s1;
	s0 =	sadd.s32 s4, s5;
	s5 =	sshll.u32 s6, $0x4  }
0xda: {  	[tilespmem:s19], [sflag:$0x1] =	stream.linear.gather [hbm4b:s0+s2], $0x80, $0x38;
	[tilespmem:$0x10200] =	vst v63  }
0xdb: {  	s1 =	sadd.s32 s4, s1;
	s5 =	sand.u32 $0x1FFFFFF0, s5;
	s0 =	sadd.s32 $0x900, s17  }
0xdc: {  	[tilespmem:s0], [sflag:$0x1] =	stream.linear.gather [hbm4b:s1+s2], $0x80, $0x38;
	[tilespmem:$0x10200] =	vst v63  }
0xdd: {  	p0 =	sne.s32 s16, $0x3E000;
	s0 =	sadd.s32 $0x980, s17;
	s1 =	sadd.s32 s4, s5  }
0xde: {  	[tilespmem:s0], [sflag:$0x1] =	stream.linear.gather [hbm4b:s1+s2], $0x80, $0x38;
	[tilespmem:$0x10200] =	vst v63  }
0xdf: {  	s0 =	smov.u32 s16;
	s16 =	sadd.s32 $0x2000, s16;
	v0 =	vld [tilespmem:s18+$0x0];
	_ =	sdelay $0x4  }
0xe0: {  	v1 =	vnsel vm0, $0x0, v0;
	v2 =	vsel vm3, $0x0, v0;
	v3 =	vsel vm14, $0x0, v0  }
0xe1: {  	v4 =	vsel vm2, $0x0, v0;
	v5 =	vsel vm15, $0x0, v0;
	(xrf0) =	vadd.scan.msk.s32 $0xffff, v1  }
0xe2: {  	v6 =	vsel vm6, $0x0, v0;
	v1 =	vsel vm1, $0x0, v0;
	(xrf0) =	vadd.scan.msk.s32 $0xffff, v4  }
0xe3: {  	v4 =	vsel vm7, $0x0, v0;
	(xrf0) =	vadd.scan.msk.s32 $0xffff, v2  }
0xe4: {  	v2 =	vsel vm8, $0x0, v0;
	(xrf0) =	vadd.scan.msk.s32 $0xffff, v1  }
0xe5: {  	v1 =	vsel vm9, $0x0, v0;
	(xrf0) =	vadd.scan.msk.s32 $0xffff, v2  }
0xe6: {  	v2 =	vsel vm5, $0x0, v0;
	(xrf0) =	vadd.scan.msk.s32 $0xffff, v1  }
0xe7: {  	v1 =	vsel vm4, $0x0, v0;
	v7, _, _ =	vpop (xrf0);
	(xrf0) =	vadd.scan.msk.s32 $0xffff, v2  }
0xe8: {  	v2 =	vsel vm10, $0x0, v0;
	(v2sf) =	vpush v7, $0xF;
	v7, _, _ =	vpop (xrf0);
	(xrf0) =	vadd.scan.msk.s32 $0xffff, v1  }
0xe9: {  	v9 =	vsel vm11, $0x0, v0;
	(v2sf) =	vpush v7, $0xF;
	v7, _, _ =	vpop (xrf0);
	(xrf0) =	vadd.scan.msk.s32 $0xffff, v2  }
0xea: {  	s17 =	sshra.s32 s0, $0x2;
	v2 =	vsel vm12, $0x0, v0;
	v8, _, _ =	vpop (xrf0);
	(v2sf) =	vpush v7, $0xF;
	(xrf0) =	vadd.scan.msk.s32 $0xffff, v9  }
0xeb: {  	s28 =	sadd.s32 $0x300, s17;
	v7 =	vsel vm13, $0x0, v0;
	(v2sf) =	vpush v8, $0xF;
	v1, _, _ =	vpop (xrf0);
	(xrf0) =	vadd.scan.msk.s32 $0xffff, v2  }
0xec: {  	s26 =	sadd.s32 $0x400, s17;
	s21 =	sadd.s32 $0x580, s17;
	(v2sf) =	vpush v1, $0xF;
	v1, _, _ =	vpop (xrf0);
	(xrf0) =	vadd.scan.msk.s32 $0xffff, v7  }
0xed: {  	s1 =	sadd.s32 $0x200, s17;
	s0 =	sadd.s32 $0x280, s17;
	v0, _, _ =	vpop (xrf0);
	(xrf0) =	vadd.scan.msk.s32 $0xffff, v3  }
0xee: {  	s22 =	sadd.s32 $0x500, s17;
	v2, _, _ =	vpop (xrf0);
	(xrf0) =	vadd.scan.msk.s32 $0xffff, v6  }
0xef: {  	s29 =	sadd.s32 $0x480, s17;
	(v2sf) =	vpush v2, $0xF;
	(xrf0) =	vadd.scan.msk.s32 $0xffff, v4;
	v2, _, _ =	vpop (xrf0)  }
0xf0: {  	(v2sf) =	vpush v0, $0xF;
	v0, _, _ =	vpop (xrf0);
	(xrf0) =	vadd.scan.msk.s32 $0xffff, v5  }
0xf1: {  	(v2sf) =	vpush v2, $0xF;
	v2, _, _ =	vpop (xrf0)  }
0xf2: {  	v3, _, _ =	vpop (xrf0)  }
0xf3: {  	v4, _, _ =	vpop (xrf0)  }
0xf4: {  	v5, _, _ =	vpop (xrf0);
	(v2sf) =	vpush v1, $0xF  }
0xf5: {  	v1, _, _ =	vpop (xrf0)  }
0xf6: {  	s18 =	sadd.s32 $0x10, s18;
	s20 =	sadd.s32 $0x800, s17;
	s19 =	sadd.s32 $0x880, s17;
	(v2sf) =	vpush v5, $0xF;
	v5, _, _ =	vpop (xrf0)  }
0xf7: {  	s24 =	sadd.s32 $0x700, s17;
	s23 =	sadd.s32 $0x780, s17;
	s5 =	spop (v2sf)  }
0xf8: {  	s25 =	sadd.s32 $0x680, s17;
	s5 =	sshll.u32 s5, $0x4;
	s6 =	spop (v2sf);
	(v2sf) =	vpush v1, $0xF  }
0xf9: {  	s5 =	sand.u32 $0x1FFFFFF0, s5;
	s6 =	sshll.u32 s6, $0x4;
	s7 =	spop (v2sf)  }
0xfa: {  	s5 =	sadd.s32 s4, s5;
	s6 =	sand.u32 $0x1FFFFFF0, s6;
	s8 =	spop (v2sf)  }
0xfb: {  	s7 =	sshll.u32 s7, $0x4;
	s8 =	sshll.u32 s8, $0x4;
	s9 =	spop (v2sf)  }
0xfc: {  	s7 =	sand.u32 $0x1FFFFFF0, s7;
	s8 =	sand.u32 $0x1FFFFFF0, s8;
	s9 =	sshll.u32 s9, $0x4;
	(v2sf) =	vpush v0, $0xF  }
0xfd: {  	[tilespmem:s1], [sflag:$0x1] =	stream.linear.gather [hbm4b:s5+s2], $0x80, $0x38;
	[tilespmem:$0x10200] =	vst v63  }
0xfe: {  	s30 =	sadd.s32 $0x600, s17;
	s31 =	sand.u32 $0x1FFFFFF0, s9;
	s1 =	spop (v2sf)  }
0xff: {  	s5 =	sadd.s32 $0x380, s17;
	s1 =	sshll.u32 s1, $0x4;
	s9 =	spop (v2sf)  }
0x100: {  	s1 =	sand.u32 $0x1FFFFFF0, s1;
	s9 =	sshll.u32 s9, $0x4;
	s10 =	spop (v2sf);
	(v2sf) =	vpush v2, $0xF  }
0x101: {  	s8 =	sadd.s32 s4, s8;
	s9 =	sand.u32 $0x1FFFFFF0, s9;
	s10 =	sshll.u32 s10, $0x4  }
0x102: {  	[tilespmem:s0], [sflag:$0x1] =	stream.linear.gather [hbm4b:s8+s2], $0x80, $0x38;
	(v2sf) =	vpush v3, $0xF;
	[tilespmem:$0x10200] =	vst v63  }
0x103: {  	s6 =	sadd.s32 s4, s6;
	s0 =	sand.u32 $0x1FFFFFF0, s10;
	s8 =	spop (v2sf)  }
0x104: {  	[tilespmem:s28], [sflag:$0x1] =	stream.linear.gather [hbm4b:s6+s2], $0x80, $0x38;
	[tilespmem:$0x10200] =	vst v63  }
0x105: {  	s6 =	sadd.s32 s4, s7;
	s28 =	sshll.u32 s8, $0x4;
	s7 =	spop (v2sf)  }
0x106: {  	[tilespmem:s5], [sflag:$0x1] =	stream.linear.gather [hbm4b:s6+s2], $0x80, $0x38;
	[tilespmem:$0x10200] =	vst v63  }
.Ltmp1:
0x107: {  	(v2sf) =	vpush v4, $0xF;
	(pc) =	sbr.rel @p0 .LBB2_4-.Ltmp1, $4  }
0x108: {  	s1 =	sadd.s32 s4, s1;
	s5 =	sshll.u32 s7, $0x4;
	s6 =	spop (v2sf)  }
0x109: {  	[tilespmem:s26], [sflag:$0x1] =	stream.linear.gather [hbm4b:s1+s2], $0x80, $0x38;
	(v2sf) =	vpush v5, $0xF;
	[tilespmem:$0x10200] =	vst v63  }
0x10a: {  	s7 =	sadd.s32 s4, s9;
	s1 =	sand.u32 $0x1FFFFFF0, s5;
	s26 =	sshll.u32 s6, $0x4  }
0x10b: {  	[tilespmem:s29], [sflag:$0x1] =	stream.linear.gather [hbm4b:s7+s2], $0x80, $0x38;
	[tilespmem:$0x10200] =	vst v63  }
0x10c: {  	s1 =	sadd.s32 s4, s1;
	s5 =	sand.u32 $0x1FFFFFF0, s26;
	s6 =	spop (v2sf)  }
0x10d: {  	[tilespmem:s22], [sflag:$0x1] =	stream.linear.gather [hbm4b:s1+s2], $0x80, $0x38;
	[tilespmem:$0x10200] =	vst v63  }
0x10e: {  	s10 =	sand.u32 $0x1FFFFFF0, s28;
	s16 =	sadd.s32 s4, s31;
	s9 =	sadd.s32 s4, s5  }
0x10f: {  	[tilespmem:s21], [sflag:$0x1] =	stream.linear.gather [hbm4b:s9+s2], $0x80, $0x38;
	[tilespmem:$0x10200] =	vst v63  }
0x110: {  	s0 =	sadd.s32 s4, s0;
	s6 =	sshll.u32 s6, $0x4;
	s7 =	spop (v2sf)  }
0x111: {  	[tilespmem:s30], [sflag:$0x1] =	stream.linear.gather [hbm4b:s16+s2], $0x80, $0x38;
	[tilespmem:$0x10200] =	vst v63  }
0x112: {  	s18 =	sadd.s32 s4, s10;
	s6 =	sand.u32 $0x1FFFFFF0, s6;
	s21 =	sshll.u32 s7, $0x4  }
0x113: {  	[tilespmem:s25], [sflag:$0x1] =	stream.linear.gather [hbm4b:s18+s2], $0x80, $0x38;
	[tilespmem:$0x10200] =	vst v63  }
0x114: {  	s6 =	sadd.s32 s4, s6;
	s22 =	spop (v2sf);
	s26 =	sand.u32 $0x1FFFFFF0, s21  }
0x115: {  	[tilespmem:s24], [sflag:$0x1] =	stream.linear.gather [hbm4b:s0+s2], $0x80, $0x38;
	[tilespmem:$0x10200] =	vst v63  }
0x116: {  	s29 =	sshll.u32 s22, $0x4;
	s8 =	sadd.s32 s4, s26;
	s7 =	spop (v2sf)  }
0x117: {  	[tilespmem:s23], [sflag:$0x1] =	stream.linear.gather [hbm4b:s6+s2], $0x80, $0x38;
	[tilespmem:$0x10200] =	vst v63  }
0x118: {  	s5 =	sand.u32 $0x1FFFFFF0, s29;
	s9 =	sshll.u32 s7, $0x4;
	s10 =	spop (v2sf)  }
0x119: {  	[tilespmem:s20], [sflag:$0x1] =	stream.linear.gather [hbm4b:s8+s2], $0x80, $0x38;
	[tilespmem:$0x10200] =	vst v63  }
0x11a: {  	s16 =	sadd.s32 s4, s5;
	s1 =	sand.u32 $0x1FFFFFF0, s9;
	s18 =	sshll.u32 s10, $0x4  }
0x11b: {  	[tilespmem:s19], [sflag:$0x1] =	stream.linear.gather [hbm4b:s16+s2], $0x80, $0x38;
	[tilespmem:$0x10200] =	vst v63  }
0x11c: {  	s1 =	sadd.s32 s4, s1;
	s5 =	sand.u32 $0x1FFFFFF0, s18;
	s19 =	sadd.s32 $0x900, s17  }
0x11d: {  	[tilespmem:s19], [sflag:$0x1] =	stream.linear.gather [hbm4b:s1+s2], $0x80, $0x38;
	[tilespmem:$0x10200] =	vst v63  }
0x11e: {  	s20 =	sadd.s32 $0x980, s17;
	s21 =	sadd.s32 s4, s5  }
0x11f: {  	[tilespmem:s20], [sflag:$0x1] =	stream.linear.gather [hbm4b:s21+s2], $0x80, $0x38;
	[tilespmem:$0x10200] =	vst v63  }
0x120: {  	_ =	swait.ge [sflag:s13], $0x10000  }
0x121: {  	[sflag:s13] =	ssyncset.done $0x0  }
0x122: {  	s22 =	simm.s32 $0x0;
	s23 =	rddreg [dreg:$0x8];
	[sflag:s13] =	ssyncadd.s32 $0xFFFF0000  }
0x123: {  	[hbm4b:s23+s22] =	stream.linear.scatter [tilespmem:s14], [sflag:$0x2], $0x10000, $0x38;
	[tilespmem:$0x10200] =	vst v63  }
0x124: {  	_ =	swait.ge [sflag:s12], $0x10000  }
0x125: {  	[sflag:s12] =	ssyncset.done $0x0  }
0x126: {  	s24 =	rddreg [dreg:$0x9];
	[sflag:s12] =	ssyncadd.s32 $0xFFFF0000  }
0x127: {  	[tilespmem:s22], [sflag:$0x2] =	stream.linear.gather [hbm4b:s24+s22], $0x200, $0x38;
	[tilespmem:$0x10200] =	vst v63  }
0x128: {  	_ =	swait.ge [sflag:s12], $0x200  }
0x129: {  	[sflag:s12] =	ssyncset.done $0x0  }
0x12a: {  	[sflag:s12] =	ssyncadd.s32 $0xFFFFFE00  }
0x12b: {  	v0 =	vld [tilespmem:s22+$0x0];
	_ =	sdelay $0x4  }
0x12c: {  	v1 =	vnsel vm0, $0x0, v0  }
0x12d: {  	v2 =	vsel vm2, $0x0, v0;
	(xrf0) =	vadd.scan.msk.s32 $0xffff, v1  }
0x12e: {  	v40 =	vsel vm3, $0x0, v0;
	(xrf0) =	vadd.scan.msk.s32 $0xffff, v2  }
0x12f: {  	v41 =	vsel vm1, $0x0, v0;
	(xrf0) =	vadd.scan.msk.s32 $0xffff, v40  }
0x130: {  	(xrf0) =	vadd.scan.msk.s32 $0xffff, v41;
	_ =	sdelay $0x2  }
0x131: {  	v42, _, _ =	vpop (xrf0)  }
0x132: {  	v43 =	vsel vm8, $0x0, v0;
	(v2sf) =	vpush v42, $0xF;
	v44, _, _ =	vpop (xrf0)  }
0x133: {  	v3 =	vsel vm9, $0x0, v0;
	(xrf0) =	vadd.scan.msk.s32 $0xffff, v43;
	(v2sf) =	vpush v44, $0xF;
	v45, _, _ =	vpop (xrf0)  }
0x134: {  	v46 =	vsel vm5, $0x0, v0;
	(xrf0) =	vadd.scan.msk.s32 $0xffff, v3;
	v47, _, _ =	vpop (xrf0);
	(v2sf) =	vpush v45, $0xF  }
0x135: {  	v48 =	vsel vm4, $0x0, v0;
	(xrf0) =	vadd.scan.msk.s32 $0xffff, v46;
	(v2sf) =	vpush v47, $0xF  }
0x136: {  	(xrf0) =	vadd.scan.msk.s32 $0xffff, v48;
	_ =	sdelay $0x1  }
0x137: {  	v49 =	vsel vm10, $0x0, v0  }
0x138: {  	v50 =	vsel vm11, $0x0, v0;
	(xrf0) =	vadd.scan.msk.s32 $0xffff, v49;
	v51, _, _ =	vpop (xrf0)  }
0x139: {  	v52 =	vsel vm12, $0x0, v0;
	(xrf0) =	vadd.scan.msk.s32 $0xffff, v50;
	v53, _, _ =	vpop (xrf0)  }
0x13a: {  	v4 =	vsel vm13, $0x0, v0;
	(xrf0) =	vadd.scan.msk.s32 $0xffff, v52;
	(v2sf) =	vpush v51, $0xF;
	v54, _, _ =	vpop (xrf0)  }
0x13b: {  	v55 =	vsel vm14, $0x0, v0;
	(xrf0) =	vadd.scan.msk.s32 $0xffff, v4;
	v56, _, _ =	vpop (xrf0)  }
0x13c: {  	v5 =	vsel vm6, $0x0, v0;
	(xrf0) =	vadd.scan.msk.s32 $0xffff, v55;
	(v2sf) =	vpush v56, $0xF  }
0x13d: {  	v57 =	vsel vm7, $0x0, v0;
	(xrf0) =	vadd.scan.msk.s32 $0xffff, v5  }
0x13e: {  	s30 =	simm.s32 $0x600;
	s25 =	simm.s32 $0x200;
	s0 =	simm.s32 $0x300;
	(xrf0) =	vadd.scan.msk.s32 $0xffff, v57;
	v58, _, _ =	vpop (xrf0);
	(v2sf) =	vpush v54, $0xF  }
0x13f: {  	s6 =	simm.s32 $0x280;
	s8 =	simm.s32 $0x480;
	s18 =	simm.s32 $0x10;
	v59, _, _ =	vpop (xrf0)  }
0x140: {  	s16 =	simm.s32 $0x2000;
	s17 =	simm.s32 $0x0;
	(v2sf) =	vpush v58, $0xF;
	v60, _, _ =	vpop (xrf0);
	s26 =	spop (v2sf)  }
0x141: {  	s1 =	simm.s32 $0x400;
	v61, _, _ =	vpop (xrf0);
	s7 =	sshll.u32 s26, $0x4;
	s9 =	spop (v2sf)  }
0x142: {  	s19 =	simm.s32 $0x880;
	(v2sf) =	vpush v53, $0xF;
	v62, _, _ =	vpop (xrf0);
	s7 =	sand.u32 $0x1FFFFFF0, s7;
	s10 =	spop (v2sf)  }
0x143: {  	s21 =	simm.s32 $0x580;
	v63, _, _ =	vpop (xrf0);
	s7 =	sadd.s32 s4, s7;
	s29 =	spop (v2sf)  }
0x144: {  	v6, _, _ =	vpop (xrf0);
	(v2sf) =	vpush v63, $0xF;
	[tilespmem:s25], [sflag:$0x1] =	stream.linear.gather [hbm4b:s7+s2], $0x80, $0x38;
	[tilespmem:$0x10200] =	vst v63  }
0x145: {  	s20 =	simm.s32 $0x800;
	s23 =	simm.s32 $0x780;
	(v2sf) =	vpush v6, $0xF;
	s7 =	sshll.u32 s29, $0x4  }
0x146: {  	s24 =	simm.s32 $0x700;
	s25 =	sshll.u32 s9, $0x4;
	s5 =	sand.u32 $0x1FFFFFF0, s7  }
0x147: {  	s26 =	sshll.u32 s10, $0x4;
	(v2sf) =	vpush v59, $0xF;
	s7 =	sand.u32 $0x1FFFFFF0, s25;
	s5 =	sadd.s32 s4, s5  }
0x148: {  	[tilespmem:s6], [sflag:$0x1] =	stream.linear.gather [hbm4b:s5+s2], $0x80, $0x38;
	[tilespmem:$0x10200] =	vst v63  }
0x149: {  	s9 =	sand.u32 $0x1FFFFFF0, s26;
	s7 =	sadd.s32 s4, s7;
	s29 =	spop (v2sf)  }
0x14a: {  	v0 =	vsel vm15, $0x0, v0;
	[tilespmem:s0], [sflag:$0x1] =	stream.linear.gather [hbm4b:s7+s2], $0x80, $0x38;
	[tilespmem:$0x10200] =	vst v63  }
0x14b: {  	(xrf0) =	vadd.scan.msk.s32 $0xffff, v0;
	s25 =	simm.s32 $0x380;
	(v2sf) =	vpush v60, $0xF;
	s6 =	sadd.s32 s4, s9;
	s10 =	spop (v2sf)  }
0x14c: {  	[tilespmem:s25], [sflag:$0x1] =	stream.linear.gather [hbm4b:s6+s2], $0x80, $0x38;
	[tilespmem:$0x10200] =	vst v63  }
0x14d: {  	s22 =	simm.s32 $0x500;
	(v2sf) =	vpush v61, $0xF;
	s0 =	sshll.u32 s10, $0x4;
	s26 =	spop (v2sf)  }
0x14e: {  	s5 =	sshll.u32 s29, $0x4;
	s0 =	sand.u32 $0x1FFFFFF0, s0;
	s6 =	sshll.u32 s26, $0x4  }
0x14f: {  	s29 =	spop (v2sf);
	s6 =	sand.u32 $0x1FFFFFF0, s6;
	s0 =	sadd.s32 s4, s0  }
0x150: {  	[tilespmem:s1], [sflag:$0x1] =	stream.linear.gather [hbm4b:s0+s2], $0x80, $0x38;
	[tilespmem:$0x10200] =	vst v63  }
0x151: {  	s31 =	sand.u32 $0x1FFFFFF0, s5;
	s1 =	spop (v2sf);
	s9 =	sadd.s32 s4, s6;
	(v2sf) =	vpush v62, $0xF  }
0x152: {  	v0, _, _ =	vpop (xrf0);
	[tilespmem:s8], [sflag:$0x1] =	stream.linear.gather [hbm4b:s9+s2], $0x80, $0x38;
	[tilespmem:$0x10200] =	vst v63  }
0x153: {  	s25 =	simm.s32 $0x680;
	s10 =	sshll.u32 s29, $0x4;
	s26 =	spop (v2sf);
	(v2sf) =	vpush v0, $0xF  }
0x154: {  	s0 =	sand.u32 $0x1FFFFFF0, s10;
	s5 =	sshll.u32 s26, $0x4;
	s29 =	spop (v2sf)  }
0x155: {  	s28 =	sshll.u32 s1, $0x4;
	s1 =	sand.u32 $0x1FFFFFF0, s5;
	s26 =	sshll.u32 s29, $0x4  }
.LBB2_6:
0x156: {  	s1 =	sadd.s32 s4, s1;
	s5 =	sand.u32 $0x1FFFFFF0, s26;
	s6 =	spop (v2sf)  }
0x157: {  	[tilespmem:s22], [sflag:$0x1] =	stream.linear.gather [hbm4b:s1+s2], $0x80, $0x38;
	[tilespmem:$0x10200] =	vst v63  }
0x158: {  	s1 =	sadd.s32 s4, s5;
	s5 =	sand.u32 $0x1FFFFFF0, s28;
	s6 =	sshll.u32 s6, $0x4  }
0x159: {  	[tilespmem:s21], [sflag:$0x1] =	stream.linear.gather [hbm4b:s1+s2], $0x80, $0x38;
	[tilespmem:$0x10200] =	vst v63  }
0x15a: {  	s6 =	sand.u32 $0x1FFFFFF0, s6;
	s1 =	sadd.s32 s4, s31;
	s7 =	spop (v2sf)  }
0x15b: {  	[tilespmem:s30], [sflag:$0x1] =	stream.linear.gather [hbm4b:s1+s2], $0x80, $0x38;
	[tilespmem:$0x10200] =	vst v63  }
0x15c: {  	s1 =	sadd.s32 s4, s5;
	s5 =	sshll.u32 s7, $0x4;
	s7 =	spop (v2sf)  }
0x15d: {  	[tilespmem:s25], [sflag:$0x1] =	stream.linear.gather [hbm4b:s1+s2], $0x80, $0x38;
	[tilespmem:$0x10200] =	vst v63  }
0x15e: {  	s0 =	sadd.s32 s4, s0;
	s1 =	sand.u32 $0x1FFFFFF0, s5;
	s5 =	sshll.u32 s7, $0x4  }
0x15f: {  	[tilespmem:s24], [sflag:$0x1] =	stream.linear.gather [hbm4b:s0+s2], $0x80, $0x38;
	[tilespmem:$0x10200] =	vst v63  }
0x160: {  	s5 =	sand.u32 $0x1FFFFFF0, s5;
	s0 =	sadd.s32 s4, s6;
	s6 =	spop (v2sf)  }
0x161: {  	[tilespmem:s23], [sflag:$0x1] =	stream.linear.gather [hbm4b:s0+s2], $0x80, $0x38;
	[tilespmem:$0x10200] =	vst v63  }
0x162: {  	s0 =	sadd.s32 s4, s1;
	s1 =	sshll.u32 s6, $0x4;
	s6 =	spop (v2sf)  }
0x163: {  	[tilespmem:s20], [sflag:$0x1] =	stream.linear.gather [hbm4b:s0+s2], $0x80, $0x38;
	[tilespmem:$0x10200] =	vst v63  }
0x164: {  	s1 =	sand.u32 $0x1FFFFFF0, s1;
	s0 =	sadd.s32 s4, s5;
	s5 =	sshll.u32 s6, $0x4  }
0x165: {  	[tilespmem:s19], [sflag:$0x1] =	stream.linear.gather [hbm4b:s0+s2], $0x80, $0x38;
	[tilespmem:$0x10200] =	vst v63  }
0x166: {  	s1 =	sadd.s32 s4, s1;
	s5 =	sand.u32 $0x1FFFFFF0, s5;
	s0 =	sadd.s32 $0x900, s17  }
0x167: {  	[tilespmem:s0], [sflag:$0x1] =	stream.linear.gather [hbm4b:s1+s2], $0x80, $0x38;
	[tilespmem:$0x10200] =	vst v63  }
0x168: {  	p0 =	sne.s32 s16, $0x3E000;
	s0 =	sadd.s32 $0x980, s17;
	s1 =	sadd.s32 s4, s5  }
0x169: {  	[tilespmem:s0], [sflag:$0x1] =	stream.linear.gather [hbm4b:s1+s2], $0x80, $0x38;
	[tilespmem:$0x10200] =	vst v63  }
0x16a: {  	s0 =	smov.u32 s16;
	s16 =	sadd.s32 $0x2000, s16;
	v0 =	vld [tilespmem:s18+$0x0];
	_ =	sdelay $0x4  }
0x16b: {  	v1 =	vnsel vm0, $0x0, v0;
	v2 =	vsel vm3, $0x0, v0;
	v3 =	vsel vm14, $0x0, v0  }
0x16c: {  	v4 =	vsel vm2, $0x0, v0;
	v5 =	vsel vm15, $0x0, v0;
	(xrf0) =	vadd.scan.msk.s32 $0xffff, v1  }
0x16d: {  	v6 =	vsel vm6, $0x0, v0;
	v1 =	vsel vm1, $0x0, v0;
	(xrf0) =	vadd.scan.msk.s32 $0xffff, v4  }
0x16e: {  	v4 =	vsel vm7, $0x0, v0;
	(xrf0) =	vadd.scan.msk.s32 $0xffff, v2  }
0x16f: {  	v2 =	vsel vm8, $0x0, v0;
	(xrf0) =	vadd.scan.msk.s32 $0xffff, v1  }
0x170: {  	v1 =	vsel vm9, $0x0, v0;
	(xrf0) =	vadd.scan.msk.s32 $0xffff, v2  }
0x171: {  	v2 =	vsel vm5, $0x0, v0;
	(xrf0) =	vadd.scan.msk.s32 $0xffff, v1  }
0x172: {  	v1 =	vsel vm4, $0x0, v0;
	v7, _, _ =	vpop (xrf0);
	(xrf0) =	vadd.scan.msk.s32 $0xffff, v2  }
0x173: {  	v2 =	vsel vm10, $0x0, v0;
	(v2sf) =	vpush v7, $0xF;
	v7, _, _ =	vpop (xrf0);
	(xrf0) =	vadd.scan.msk.s32 $0xffff, v1  }
0x174: {  	v9 =	vsel vm11, $0x0, v0;
	(v2sf) =	vpush v7, $0xF;
	v7, _, _ =	vpop (xrf0);
	(xrf0) =	vadd.scan.msk.s32 $0xffff, v2  }
0x175: {  	s17 =	sshra.s32 s0, $0x2;
	v2 =	vsel vm12, $0x0, v0;
	v8, _, _ =	vpop (xrf0);
	(v2sf) =	vpush v7, $0xF;
	(xrf0) =	vadd.scan.msk.s32 $0xffff, v9  }
0x176: {  	s28 =	sadd.s32 $0x300, s17;
	v7 =	vsel vm13, $0x0, v0;
	(v2sf) =	vpush v8, $0xF;
	v1, _, _ =	vpop (xrf0);
	(xrf0) =	vadd.scan.msk.s32 $0xffff, v2  }
0x177: {  	s26 =	sadd.s32 $0x400, s17;
	s21 =	sadd.s32 $0x580, s17;
	(v2sf) =	vpush v1, $0xF;
	v1, _, _ =	vpop (xrf0);
	(xrf0) =	vadd.scan.msk.s32 $0xffff, v7  }
0x178: {  	s1 =	sadd.s32 $0x200, s17;
	s0 =	sadd.s32 $0x280, s17;
	v0, _, _ =	vpop (xrf0);
	(xrf0) =	vadd.scan.msk.s32 $0xffff, v3  }
0x179: {  	s22 =	sadd.s32 $0x500, s17;
	v2, _, _ =	vpop (xrf0);
	(xrf0) =	vadd.scan.msk.s32 $0xffff, v6  }
0x17a: {  	s29 =	sadd.s32 $0x480, s17;
	(v2sf) =	vpush v2, $0xF;
	(xrf0) =	vadd.scan.msk.s32 $0xffff, v4;
	v2, _, _ =	vpop (xrf0)  }
0x17b: {  	(v2sf) =	vpush v0, $0xF;
	v0, _, _ =	vpop (xrf0);
	(xrf0) =	vadd.scan.msk.s32 $0xffff, v5  }
0x17c: {  	(v2sf) =	vpush v2, $0xF;
	v2, _, _ =	vpop (xrf0)  }
0x17d: {  	v3, _, _ =	vpop (xrf0)  }
0x17e: {  	v4, _, _ =	vpop (xrf0)  }
0x17f: {  	v5, _, _ =	vpop (xrf0);
	(v2sf) =	vpush v1, $0xF  }
0x180: {  	v1, _, _ =	vpop (xrf0)  }
0x181: {  	s18 =	sadd.s32 $0x10, s18;
	s20 =	sadd.s32 $0x800, s17;
	s19 =	sadd.s32 $0x880, s17;
	(v2sf) =	vpush v5, $0xF;
	v5, _, _ =	vpop (xrf0)  }
0x182: {  	s24 =	sadd.s32 $0x700, s17;
	s23 =	sadd.s32 $0x780, s17;
	s5 =	spop (v2sf)  }
0x183: {  	s25 =	sadd.s32 $0x680, s17;
	s5 =	sshll.u32 s5, $0x4;
	s6 =	spop (v2sf);
	(v2sf) =	vpush v1, $0xF  }
0x184: {  	s5 =	sand.u32 $0x1FFFFFF0, s5;
	s6 =	sshll.u32 s6, $0x4;
	s7 =	spop (v2sf)  }
0x185: {  	s5 =	sadd.s32 s4, s5;
	s6 =	sand.u32 $0x1FFFFFF0, s6;
	s8 =	spop (v2sf)  }
0x186: {  	s7 =	sshll.u32 s7, $0x4;
	s8 =	sshll.u32 s8, $0x4;
	s9 =	spop (v2sf)  }
0x187: {  	s7 =	sand.u32 $0x1FFFFFF0, s7;
	s8 =	sand.u32 $0x1FFFFFF0, s8;
	s9 =	sshll.u32 s9, $0x4;
	(v2sf) =	vpush v0, $0xF  }
0x188: {  	[tilespmem:s1], [sflag:$0x1] =	stream.linear.gather [hbm4b:s5+s2], $0x80, $0x38;
	[tilespmem:$0x10200] =	vst v63  }
0x189: {  	s30 =	sadd.s32 $0x600, s17;
	s31 =	sand.u32 $0x1FFFFFF0, s9;
	s1 =	spop (v2sf)  }
0x18a: {  	s5 =	sadd.s32 $0x380, s17;
	s1 =	sshll.u32 s1, $0x4;
	s9 =	spop (v2sf)  }
0x18b: {  	s1 =	sand.u32 $0x1FFFFFF0, s1;
	s9 =	sshll.u32 s9, $0x4;
	s10 =	spop (v2sf);
	(v2sf) =	vpush v2, $0xF  }
0x18c: {  	s8 =	sadd.s32 s4, s8;
	s9 =	sand.u32 $0x1FFFFFF0, s9;
	s10 =	sshll.u32 s10, $0x4  }
0x18d: {  	[tilespmem:s0], [sflag:$0x1] =	stream.linear.gather [hbm4b:s8+s2], $0x80, $0x38;
	(v2sf) =	vpush v3, $0xF;
	[tilespmem:$0x10200] =	vst v63  }
0x18e: {  	s6 =	sadd.s32 s4, s6;
	s0 =	sand.u32 $0x1FFFFFF0, s10;
	s8 =	spop (v2sf)  }
0x18f: {  	[tilespmem:s28], [sflag:$0x1] =	stream.linear.gather [hbm4b:s6+s2], $0x80, $0x38;
	[tilespmem:$0x10200] =	vst v63  }
0x190: {  	s6 =	sadd.s32 s4, s7;
	s28 =	sshll.u32 s8, $0x4;
	s7 =	spop (v2sf)  }
0x191: {  	[tilespmem:s5], [sflag:$0x1] =	stream.linear.gather [hbm4b:s6+s2], $0x80, $0x38;
	[tilespmem:$0x10200] =	vst v63  }
.Ltmp2:
0x192: {  	(v2sf) =	vpush v4, $0xF;
	(pc) =	sbr.rel @p0 .LBB2_6-.Ltmp2, $4  }
0x193: {  	s1 =	sadd.s32 s4, s1;
	s5 =	sshll.u32 s7, $0x4;
	s6 =	spop (v2sf)  }
0x194: {  	[tilespmem:s26], [sflag:$0x1] =	stream.linear.gather [hbm4b:s1+s2], $0x80, $0x38;
	(v2sf) =	vpush v5, $0xF;
	[tilespmem:$0x10200] =	vst v63  }
0x195: {  	s7 =	sadd.s32 s4, s9;
	s1 =	sand.u32 $0x1FFFFFF0, s5;
	s26 =	sshll.u32 s6, $0x4  }
0x196: {  	[tilespmem:s29], [sflag:$0x1] =	stream.linear.gather [hbm4b:s7+s2], $0x80, $0x38;
	[tilespmem:$0x10200] =	vst v63  }
0x197: {  	s1 =	sadd.s32 s4, s1;
	s5 =	sand.u32 $0x1FFFFFF0, s26;
	s6 =	spop (v2sf)  }
0x198: {  	[tilespmem:s22], [sflag:$0x1] =	stream.linear.gather [hbm4b:s1+s2], $0x80, $0x38;
	[tilespmem:$0x10200] =	vst v63  }
0x199: {  	s29 =	sand.u32 $0x1FFFFFF0, s28;
	s31 =	sadd.s32 s4, s31;
	s26 =	sadd.s32 s4, s5  }
0x19a: {  	[tilespmem:s21], [sflag:$0x1] =	stream.linear.gather [hbm4b:s26+s2], $0x80, $0x38;
	[tilespmem:$0x10200] =	vst v63  }
0x19b: {  	s0 =	sadd.s32 s4, s0;
	s6 =	sshll.u32 s6, $0x4;
	s7 =	spop (v2sf)  }
0x19c: {  	[tilespmem:s30], [sflag:$0x1] =	stream.linear.gather [hbm4b:s31+s2], $0x80, $0x38;
	[tilespmem:$0x10200] =	vst v63  }
0x19d: {  	s5 =	sadd.s32 s4, s29;
	s6 =	sand.u32 $0x1FFFFFF0, s6;
	s8 =	sshll.u32 s7, $0x4  }
0x19e: {  	[tilespmem:s25], [sflag:$0x1] =	stream.linear.gather [hbm4b:s5+s2], $0x80, $0x38;
	[tilespmem:$0x10200] =	vst v63  }
0x19f: {  	s18 =	sadd.s32 s4, s6;
	s9 =	spop (v2sf);
	s10 =	sand.u32 $0x1FFFFFF0, s8  }
0x1a0: {  	[tilespmem:s24], [sflag:$0x1] =	stream.linear.gather [hbm4b:s0+s2], $0x80, $0x38;
	[tilespmem:$0x10200] =	vst v63  }
0x1a1: {  	s16 =	sshll.u32 s9, $0x4;
	s22 =	sadd.s32 s4, s10;
	s21 =	spop (v2sf)  }
0x1a2: {  	[tilespmem:s23], [sflag:$0x1] =	stream.linear.gather [hbm4b:s18+s2], $0x80, $0x38;
	[tilespmem:$0x10200] =	vst v63  }
0x1a3: {  	s5 =	sand.u32 $0x1FFFFFF0, s16;
	s23 =	sshll.u32 s21, $0x4;
	s24 =	spop (v2sf)  }
0x1a4: {  	[tilespmem:s20], [sflag:$0x1] =	stream.linear.gather [hbm4b:s22+s2], $0x80, $0x38;
	[tilespmem:$0x10200] =	vst v63  }
0x1a5: {  	s25 =	sadd.s32 s4, s5;
	s1 =	sand.u32 $0x1FFFFFF0, s23;
	s26 =	sshll.u32 s24, $0x4  }
0x1a6: {  	[tilespmem:s19], [sflag:$0x1] =	stream.linear.gather [hbm4b:s25+s2], $0x80, $0x38;
	[tilespmem:$0x10200] =	vst v63  }
0x1a7: {  	s28 =	sadd.s32 $0x900, s17;
	s1 =	sadd.s32 s4, s1;
	s5 =	sand.u32 $0x1FFFFFF0, s26  }
0x1a8: {  	[tilespmem:s28], [sflag:$0x1] =	stream.linear.gather [hbm4b:s1+s2], $0x80, $0x38;
	[tilespmem:$0x10200] =	vst v63  }
0x1a9: {  	s29 =	sadd.s32 $0x980, s17;
	s30 =	sadd.s32 s4, s5  }
0x1aa: {  	[tilespmem:s29], [sflag:$0x1] =	stream.linear.gather [hbm4b:s30+s2], $0x80, $0x38;
	[tilespmem:$0x10200] =	vst v63  }
0x1ab: {  	s15 =	sadd.s32 $0x1, s15;
	_ =	swait.ge [sflag:s13], $0x10000  }
0x1ac: {  	p0 =	sne.s32 s15, s11;
	[sflag:s13] =	ssyncset.done $0x0  }
.Ltmp3:
0x1ad: {  	s31 =	rddreg [dreg:$0xa];
	[sflag:s13] =	ssyncadd.s32 $0xFFFF0000;
	(pc) =	sbr.rel @p0 .LBB2_1-.Ltmp3, $4  }
0x1ae: {  	[hbm4b:s31+s2] =	stream.linear.scatter [tilespmem:s14], [sflag:$0x2], $0x10000, $0x38;
	[tilespmem:$0x10200] =	vst v63  }
0x1af: {  	_ =	swait.ge [sflag:s12], $0x10000  }
0x1b0: {  	[sflag:s12] =	ssyncset.done $0x0  }
0x1b1: {  	[sflag:s12] =	ssyncadd.s32 $0xFFFF0000  }
0x1b2: {  	_ =	sfence.sel $0x180000  }
0x1b3: {  	[bflag:$0x0] =	sbarrier.arrive $0xFFFF  }
0x1b4: {  	_ =	strace $0x90000047  }
0x1b5: {  	s0 =	stileid.u32;
	[bflag:$0x2] =	sbarrier.arrive $0xFFFF  }
0x1b6: {  	p0 =	sne.s32 s0, $0x0;
	s0 =	rddreg [dreg:$0x4]  }
0x1b7: {  	s0 =	sadd.s32 @!p0 $0x100000, s0  }
0x1b8: {  	[sflag:s0] =	ssyncadd.tile.s32 @!p0 $0x1;
	_ =	shalt  }
.Lfunc_end2:
_tile_overlayer_lowered:
.L_overlay_start_2:
0x1b9: {  	(tag) =	ssettag $0x2  }
0x1ba: {  	s0 =	rddreg [dreg:$0x0];
	s2 =	stileid.u32  }
0x1bb: {  	s1 =	rddreg [dreg:$0x1];
	p0 =	sne.s32 s2, $0x0  }
0x1bc: {  	s3 =	rddreg [dreg:$0x2];
	[bflag:$0x3] =	sbarrier.arrive $0xFFFF;
	s2 =	simm.s32 @!p0 $0x1C02  }
0x1bd: {  	[timem:s3], [sflag:s2] =	dma.local @!p0 [hbm:s0], s1  }
0x1be: {  	s0 =	simm.s32 @!p0 $0x2  }
0x1bf: {  	_ =	swait.ge @!p0 [sflag:s0], s1  }
0x1c0: {  	s1 =	ssub.s32 @!p0 $0x0, s1;
	[sflag:s0] =	ssyncset.done @!p0 $0x0  }
0x1c1: {  	[sflag:s0] =	ssyncadd.s32 @!p0 s1  }
0x1c2: {  	[bflag:$0x3] =	sbarrier.arrive $0xFFFF  }
0x1c3: {  	_ =	shalt  }

</sc_bundles>
